<compile_context>
chip_gen: v7x
topology: tpu7x:2x2x1
jax: 0.10.2.dev20260603
libtpu: 0.0.44.dev20260713+nightly
codegen_flags: <defaults>
</compile_context>

<pallas_src>
import functools
import math

import jax
import jax.numpy as jnp
import numpy as np
from jax.experimental import pallas as pl
from jax.experimental.pallas import tpu as pltpu

N_ATOMS = 10000
EMB = 256
NUM_RBF = 50
NUM_GATES = 10
EXPERT_OUT = 128
CUTOFF_UPPER = 5.0
GOUT = NUM_GATES * EXPERT_OUT

EDGE_BLK = 512
RBF_PAD = 56
Z_PAD = 104
SCAL_PAD = 8


def _edge_kernel(evx_ref, evy_ref, evz_ref, zs_ref, zd_ref,
                 utab_ref, wexp_ref, k_ref, s_ref, tp_ref, out_ref):
    evx = evx_ref[...]
    evy = evy_ref[...]
    evz = evz_ref[...]
    w2 = evx * evx + evy * evy + evz * evz
    w = jnp.sqrt(w2)
    inv_w = 1.0 / w
    delta = CUTOFF_UPPER / (NUM_RBF - 1)
    coeff = -0.5 / (delta * delta)
    coli = jax.lax.broadcasted_iota(jnp.int32, (EDGE_BLK, RBF_PAD), 1)
    diff = w[:, None] - coli.astype(jnp.float32) * delta
    ea = jnp.exp(coeff * diff * diff)
    ea = jnp.where(coli == NUM_RBF, 1.0, jnp.where(coli < NUM_RBF, ea, 0.0))
    C = 0.5 * (jnp.cos(w * (math.pi / CUTOFF_UPPER)) + 1.0) * (w < CUTOFF_UPPER)
    logw = jnp.log(w)
    sqw = jnp.sqrt(w)
    ones = jnp.ones_like(w)
    scal = jnp.stack([w2, w2 * w, w2 * w2, sqw, logw, w, ones, ones * 0.0], axis=1)
    zcol = jax.lax.broadcasted_iota(jnp.int32, (EDGE_BLK, Z_PAD), 1)
    oh = jnp.concatenate(
        [(zs_ref[...][:, None] == zcol).astype(jnp.float32),
         (zd_ref[...][:, None] == zcol).astype(jnp.float32)], axis=1)
    s_e = jnp.dot(oh, utab_ref[...], preferred_element_type=jnp.float32)
    p = jnp.dot(s_e, wexp_ref[...], preferred_element_type=jnp.float32)
    tv = C[:, None] * jnp.dot(ea, k_ref[...], preferred_element_type=jnp.float32)
    tv = tv + jnp.dot(scal, s_ref[...], preferred_element_type=jnp.float32)
    g = (p + tv).reshape(EDGE_BLK, NUM_GATES, EXPERT_OUT)
    gcol = jax.lax.broadcasted_iota(jnp.int32, (EDGE_BLK, 16), 1)
    dxp = 1.0 / jnp.clip(jnp.abs(w[:, None] - tp_ref[...][None, :]), 1e-8, None)
    dxp = jnp.where(gcol < NUM_GATES, dxp, -1e30)
    m = jnp.max(dxp, axis=1, keepdims=True)
    e = jnp.exp(dxp - m)
    sm = e / jnp.sum(e, axis=1, keepdims=True)
    el = jnp.sum(g * sm[:, :NUM_GATES, None], axis=1)
    evnx = evx * inv_w
    evny = evy * inv_w
    evnz = evz * inv_w
    out_ref[...] = jnp.concatenate(
        [el, evnx[:, None] * el, evny[:, None] * el, evnz[:, None] * el], axis=1)


def _compute_edges(evx, evy, evz, zs, zd, utab, wexp, k_aug, s_aug, tp_pad):
    ep = evx.shape[0]
    grid = (ep // EDGE_BLK,)
    blk1 = pl.BlockSpec((EDGE_BLK,), lambda i: (i,))
    full = lambda shape: pl.BlockSpec(shape, lambda i: tuple(0 for _ in shape))
    return pl.pallas_call(
        _edge_kernel,
        grid=grid,
        in_specs=[blk1, blk1, blk1, blk1, blk1,
                  full(utab.shape), full(wexp.shape), full(k_aug.shape),
                  full(s_aug.shape), full(tp_pad.shape)],
        out_specs=pl.BlockSpec((EDGE_BLK, 4 * EXPERT_OUT), lambda i: (i, 0)),
        out_shape=jax.ShapeDtypeStruct((ep, 4 * EXPERT_OUT), jnp.float32),
    )(evx, evy, evz, zs, zd, utab, wexp, k_aug, s_aug, tp_pad)


def kernel(z, pos, batch, edge_index, emb, W_dist, b_dist, W_dij, b_dij,
           W_ai, b_ai, W_aj, b_aj, W_gamma, b_gamma, W_exp, b_exp, t_params):
    E = edge_index.shape[1]
    src = edge_index[0].astype(jnp.int32)
    dst = edge_index[1].astype(jnp.int32)
    EP = ((E + EDGE_BLK - 1) // EDGE_BLK) * EDGE_BLK
    pad = EP - E
    src_p = jnp.pad(src, (0, pad), constant_values=N_ATOMS)
    dst_p = jnp.pad(dst, (0, pad), constant_values=N_ATOMS)

    Wg1 = W_gamma[0:EMB]
    Wg2 = W_gamma[EMB:2 * EMB]
    Wg3 = W_gamma[2 * EMB:3 * EMB]
    wexp_flat = W_exp.transpose(1, 0, 2).reshape(EMB, GOUT)
    g3e = Wg3 @ wexp_flat
    utab_i = emb @ (W_ai @ Wg1)
    utab_j = emb @ (W_aj @ Wg2)
    utab = jnp.zeros((2 * Z_PAD, EMB), jnp.float32)
    utab = utab.at[0:100].set(utab_i).at[Z_PAD:Z_PAD + 100].set(utab_j)
    wd1 = W_dij[0:EMB]
    wd2 = W_dij[EMB:EMB + 6]
    k_core = W_dist @ (wd1 @ g3e)
    kb = (b_dist @ wd1) @ g3e
    k_aug = jnp.zeros((RBF_PAD, GOUT), jnp.float32)
    k_aug = k_aug.at[0:NUM_RBF].set(k_core).at[NUM_RBF].set(kb)
    c0 = (b_ai @ Wg1 + b_aj @ Wg2 + b_dij @ Wg3 + b_gamma) @ wexp_flat \
        + b_exp.reshape(GOUT)
    s_aug = jnp.zeros((SCAL_PAD, GOUT), jnp.float32)
    s_aug = s_aug.at[0:6].set(wd2 @ g3e).at[6].set(c0)
    tp_pad = jnp.pad(t_params.astype(jnp.float32), (0, 16 - NUM_GATES))

    zc = jnp.minimum(z.astype(jnp.int32), 99)
    src_c = jnp.minimum(src_p, N_ATOMS - 1)
    dst_c = jnp.minimum(dst_p, N_ATOMS - 1)
    ev = pos[src_c] - pos[dst_c]
    valid = src_p < N_ATOMS
    evx = jnp.where(valid, ev[:, 0], 1.0)
    evy = jnp.where(valid, ev[:, 1], 0.0)
    evz = jnp.where(valid, ev[:, 2], 0.0)
    zs = zc[src_c]
    zd = zc[dst_c]

    expanded = _compute_edges(evx, evy, evz, zs, zd,
                              utab, wexp_flat, k_aug, s_aug, tp_pad)

    out = jax.ops.segment_sum(expanded, src_p, num_segments=N_ATOMS)
    atom_x = out[:, 0:EXPERT_OUT]
    vec = out[:, EXPERT_OUT:].reshape(N_ATOMS, 3, EXPERT_OUT)
    return (atom_x, vec, z, pos, batch)

# --- scband reference (transcript-rebuilt; emitter-appended) ---
"""Pipeline reference for scband-deep-set-39805756899872 (READ-ONLY COPY).

The authoritative reference and input builder live on the scoring server;
editing this copy changes nothing except your own understanding.
"""

import jax, jax.numpy as jnp
import numpy as np

N = 10000
EMB = 256
NUM_RBF = 50
NUM_GATES = 10
EXPERT_OUT = 128
CUTOFF_LOWER = 0.0
CUTOFF_UPPER = 5.0
BOX_L = 54.7


def _neighbors(pos, cutoff):
    c2 = cutoff * cutoff
    n = pos.shape[0]
    src_list, dst_list = [], []
    chunk = 1000
    for s in range(0, n, chunk):
        e = min(s + chunk, n)
        d = pos[s:e, None, :] - pos[None, :, :]
        d2 = (d * d).sum(-1)
        ii, jj = np.nonzero(d2 < c2)
        keep = (ii + s) != jj
        src_list.append((ii[keep] + s).astype(np.int64))
        dst_list.append(jj[keep].astype(np.int64))
    return np.concatenate(src_list), np.concatenate(dst_list)


def setup_inputs():
    rng = np.random.default_rng(0)
    pos = rng.uniform(0.0, BOX_L, size=(N, 3)).astype(np.float32)
    z = rng.integers(0, 100, size=(N,)).astype(np.int64)
    batch = np.zeros((N,), dtype=np.int64)
    src, dst = _neighbors(pos, CUTOFF_UPPER)
    edge_index = np.stack([src, dst], axis=0)

    def lin(fan_in, fan_out):
        w = (rng.normal(0.0, 1.0, size=(fan_in, fan_out)) / np.sqrt(fan_in)).astype(np.float32)
        b = np.zeros((fan_out,), dtype=np.float32)
        return w, b

    emb = (rng.normal(0.0, 1.0, size=(100, EMB)) * 0.1).astype(np.float32)
    W_dist, b_dist = lin(NUM_RBF, EMB)
    W_dij, b_dij = lin(EMB + 6, EMB)
    W_ai, b_ai = lin(EMB, EMB)
    W_aj, b_aj = lin(EMB, EMB)
    W_gamma, b_gamma = lin(3 * EMB, EMB)
    W_exp = (rng.normal(0.0, 1.0, size=(NUM_GATES, EMB, EXPERT_OUT)) / np.sqrt(EMB)).astype(np.float32)
    b_exp = np.zeros((NUM_GATES, EXPERT_OUT), dtype=np.float32)
    t_params = (rng.normal(0.0, 1.0, size=(NUM_GATES,)) * 0.01).astype(np.float32)
    d = dict(z=z, pos=pos, batch=batch, edge_index=edge_index, emb=emb, W_dist=W_dist, b_dist=b_dist,
             W_dij=W_dij, b_dij=b_dij, W_ai=W_ai, b_ai=b_ai, W_aj=W_aj, b_aj=b_aj,
             W_gamma=W_gamma, b_gamma=b_gamma, W_exp=W_exp, b_exp=b_exp, t_params=t_params)
    return {k: jnp.asarray(v) for k, v in d.items()}


def _forward(z, pos, batch, edge_index, emb, W_dist, b_dist, W_dij, b_dij, W_ai, b_ai, W_aj, b_aj, W_gamma, b_gamma, W_exp, b_exp, t_params):
    src = edge_index[0]
    dst = edge_index[1]
    x = emb[z]
    edge_vec = pos[src] - pos[dst]
    edge_weight = jnp.sqrt(jnp.sum(edge_vec * edge_vec, axis=1))
    # GaussianSmearing RBF expansion
    offset = jnp.linspace(CUTOFF_LOWER, CUTOFF_UPPER, NUM_RBF)
    coeff = -0.5 / (offset[1] - offset[0]) ** 2
    edge_attr = jnp.exp(coeff * (edge_weight[:, None] - offset[None, :]) ** 2)
    ew2 = edge_weight ** 2
    ew3 = edge_weight ** 3
    ew4 = edge_weight ** 4
    ewsqrt = jnp.sqrt(edge_weight)
    ewlog = jnp.log(edge_weight)
    edge_vec_n = edge_vec / jnp.linalg.norm(edge_vec, axis=1, keepdims=True)
    # CosineCutoff with cutoff_lower = 0
    C = 0.5 * (jnp.cos(edge_weight * np.pi / CUTOFF_UPPER) + 1.0) * (edge_weight < CUTOFF_UPPER)
    d_ij_projection = (edge_attr @ W_dist + b_dist) * C[:, None]
    edge_features = jnp.concatenate([d_ij_projection, ew2[:, None], ew3[:, None], ew4[:, None], ewsqrt[:, None], ewlog[:, None], edge_weight[:, None]], axis=1)
    d_ij_t = edge_features @ W_dij + b_dij
    a_i = x[src] @ W_ai + b_ai
    a_j = x[dst] @ W_aj + b_aj
    gamma = jnp.concatenate([a_i, a_j, d_ij_t], axis=1) @ W_gamma + b_gamma
    # distance-based gate weights: repeat_interleave + view == broadcast against t_params
    d_exp = 1.0 / jnp.clip(jnp.abs(edge_weight[:, None] - t_params[None, :]), 1e-8, None)
    sm = jax.nn.softmax(d_exp, axis=1)
    experts_out = jnp.einsum('ed,gdo->ego', gamma, W_exp) + b_exp[None, :, :]
    edge_level = jnp.sum(experts_out * sm[:, :, None], axis=1)
    atom_x = jax.ops.segment_sum(edge_level, src, num_segments=N)
    weighted = edge_vec_n[:, :, None] * edge_level[:, None, :]
    vec = jnp.zeros((N, 3, EXPERT_OUT), dtype=jnp.float32).at[src].add(weighted)
    return atom_x, vec


def reference(z, pos, batch, edge_index, emb, W_dist, b_dist, W_dij, b_dij, W_ai, b_ai, W_aj, b_aj, W_gamma, b_gamma, W_exp, b_exp, t_params):
    atom_x, vec = _forward(z, pos, batch, edge_index, emb, W_dist, b_dist, W_dij, b_dij, W_ai, b_ai, W_aj, b_aj, W_gamma, b_gamma, W_exp, b_exp, t_params)
    return (atom_x, vec, z, pos, batch)

if __name__ == "__main__":
    import jax
    _d = setup_inputs()
    print(jax.jit(kernel)(*tuple(_d.values())))

</pallas_src>

<mosaic_0001>
module attributes {stable_mosaic.version = 14 : i64} {
  func.func @_edge_kernel(%arg0: i32, %arg1: memref<512xf32, #tpu.memory_space<vmem>>, %arg2: memref<512xf32, #tpu.memory_space<vmem>>, %arg3: memref<512xf32, #tpu.memory_space<vmem>>, %arg4: memref<512xi32, #tpu.memory_space<vmem>>, %arg5: memref<512xi32, #tpu.memory_space<vmem>>, %arg6: memref<208x256xf32, #tpu.memory_space<vmem>>, %arg7: memref<256x1280xf32, #tpu.memory_space<vmem>>, %arg8: memref<56x1280xf32, #tpu.memory_space<vmem>>, %arg9: memref<8x1280xf32, #tpu.memory_space<vmem>>, %arg10: memref<16xf32, #tpu.memory_space<vmem>>, %arg11: memref<512x512xf32, #tpu.memory_space<vmem>>) attributes {dimension_semantics = [#tpu.dimension_semantics<arbitrary>], iteration_bounds = array<i64: 565>, scalar_prefetch = 0 : i64, scratch_operands = 0 : i64, tpu.core_type = #tpu.core_type<tc>, window_params = [{transform_indices = @transform_0, window_bounds = array<i64: 512>}, {transform_indices = @transform_1, window_bounds = array<i64: 512>}, {transform_indices = @transform_2, window_bounds = array<i64: 512>}, {transform_indices = @transform_3, window_bounds = array<i64: 512>}, {transform_indices = @transform_4, window_bounds = array<i64: 512>}, {pipeline_mode = #tpu.pipeline_mode<synchronous>, transform_indices = @transform_5, window_bounds = array<i64: 208, 256>}, {pipeline_mode = #tpu.pipeline_mode<synchronous>, transform_indices = @transform_6, window_bounds = array<i64: 256, 1280>}, {pipeline_mode = #tpu.pipeline_mode<synchronous>, transform_indices = @transform_7, window_bounds = array<i64: 56, 1280>}, {pipeline_mode = #tpu.pipeline_mode<synchronous>, transform_indices = @transform_8, window_bounds = array<i64: 8, 1280>}, {pipeline_mode = #tpu.pipeline_mode<synchronous>, transform_indices = @transform_9, window_bounds = array<i64: 16>}, {transform_indices = @transform_10, window_bounds = array<i64: 512, 512>}]} {
    %get3A = arith.constant 0 : index
    %get3A_0 = vector.load %arg1[%get3A] : memref<512xf32, #tpu.memory_space<vmem>>, vector<512xf32>
    %get3A_1 = arith.constant 0 : index
    %get3A_2 = vector.load %arg2[%get3A_1] : memref<512xf32, #tpu.memory_space<vmem>>, vector<512xf32>
    %get3A_3 = arith.constant 0 : index
    %get3A_4 = vector.load %arg3[%get3A_3] : memref<512xf32, #tpu.memory_space<vmem>>, vector<512xf32>
    %mul3A = arith.mulf %get3A_0, %get3A_0 : vector<512xf32>
    %mul3A_5 = arith.mulf %get3A_2, %get3A_2 : vector<512xf32>
    %add3A = arith.addf %mul3A, %mul3A_5 : vector<512xf32>
    %mul3A_6 = arith.mulf %get3A_4, %get3A_4 : vector<512xf32>
    %add3A_7 = arith.addf %add3A, %mul3A_6 : vector<512xf32>
    %sqrt3A = math.sqrt %add3A_7 : vector<512xf32>
    %div3A = arith.constant 1.000000e+00 : f32
    %div3A_8 = vector.broadcast %div3A : f32 to vector<512xf32>
    %div3A_9 = arith.divf %div3A_8, %sqrt3A : vector<512xf32>
    %iota3A = tpu.iota {dimensions = array<i32: 1>} : vector<512x56xi32>
    %broadcast_in_dim3A = vector.shape_cast %sqrt3A : vector<512xf32> to vector<512x1xf32>
    %convert_element_type3A = arith.sitofp %iota3A : vector<512x56xi32> to vector<512x56xf32>
    %mul3A_10 = arith.constant 0.10204082 : f32
    %mul3A_11 = vector.broadcast %mul3A_10 : f32 to vector<512x56xf32>
    %mul3A_12 = arith.mulf %convert_element_type3A, %mul3A_11 : vector<512x56xf32>
    %sub3A = vector.broadcast %broadcast_in_dim3A : vector<512x1xf32> to vector<512x56xf32>
    %sub3A_13 = arith.subf %sub3A, %mul3A_12 : vector<512x56xf32>
    %mul3A_14 = arith.constant -4.802000e+01 : f32
    %mul3A_15 = vector.broadcast %mul3A_14 : f32 to vector<512x56xf32>
    %mul3A_16 = arith.mulf %mul3A_15, %sub3A_13 : vector<512x56xf32>
    %mul3A_17 = arith.mulf %mul3A_16, %sub3A_13 : vector<512x56xf32>
    %exp3A = math.exp %mul3A_17 : vector<512x56xf32>
    %eq3A = arith.constant 50 : i32
    %eq3A_18 = vector.broadcast %eq3A : i32 to vector<512x56xi32>
    %eq3A_19 = arith.cmpi eq, %iota3A, %eq3A_18 : vector<512x56xi32>
    %lt3A = arith.constant 50 : i32
    %lt3A_20 = vector.broadcast %lt3A : i32 to vector<512x56xi32>
    %lt3A_21 = arith.cmpi slt, %iota3A, %lt3A_20 : vector<512x56xi32>
    %jit3A = arith.constant 0.000000e+00 : f32
    %broadcast_in_dim3A_22 = vector.broadcast %jit3A : f32 to vector<512x56xf32>
    %select_n3A = arith.select %lt3A_21, %exp3A, %broadcast_in_dim3A_22 : vector<512x56xi1>, vector<512x56xf32>
    %jit3A_23 = arith.constant 1.000000e+00 : f32
    %broadcast_in_dim3A_24 = vector.broadcast %jit3A_23 : f32 to vector<512x56xf32>
    %select_n3A_25 = arith.select %eq3A_19, %broadcast_in_dim3A_24, %select_n3A : vector<512x56xi1>, vector<512x56xf32>
    %mul3A_26 = arith.constant 0.628318548 : f32
    %mul3A_27 = vector.broadcast %mul3A_26 : f32 to vector<512xf32>
    %mul3A_28 = arith.mulf %sqrt3A, %mul3A_27 : vector<512xf32>
    %cos3A = math.cos %mul3A_28 : vector<512xf32>
    %add3A_29 = arith.constant 1.000000e+00 : f32
    %add3A_30 = vector.broadcast %add3A_29 : f32 to vector<512xf32>
    %add3A_31 = arith.addf %cos3A, %add3A_30 : vector<512xf32>
    %mul3A_32 = arith.constant 5.000000e-01 : f32
    %mul3A_33 = vector.broadcast %mul3A_32 : f32 to vector<512xf32>
    %mul3A_34 = arith.mulf %mul3A_33, %add3A_31 : vector<512xf32>
    %lt3A_35 = arith.constant 5.000000e+00 : f32
    %lt3A_36 = vector.broadcast %lt3A_35 : f32 to vector<512xf32>
    %lt3A_37 = arith.cmpf olt, %sqrt3A, %lt3A_36 : vector<512xf32>
    %convert_element_type3A_38 = arith.extui %lt3A_37 : vector<512xi1> to vector<512xi32>
    %convert_element_type3A_39 = arith.sitofp %convert_element_type3A_38 : vector<512xi32> to vector<512xf32>
    %mul3A_40 = arith.mulf %mul3A_34, %convert_element_type3A_39 : vector<512xf32>
    %log3A = math.log %sqrt3A : vector<512xf32>
    %sqrt3A_41 = math.sqrt %sqrt3A : vector<512xf32>
    %broadcast_in_dim3A_42 = arith.constant 1.000000e+00 : f32
    %broadcast_in_dim3A_43 = vector.broadcast %broadcast_in_dim3A_42 : f32 to vector<512xf32>
    %mul3A_44 = arith.mulf %add3A_7, %sqrt3A : vector<512xf32>
    %mul3A_45 = arith.mulf %add3A_7, %add3A_7 : vector<512xf32>
    %mul3A_46 = arith.constant 0.000000e+00 : f32
    %mul3A_47 = vector.broadcast %mul3A_46 : f32 to vector<512xf32>
    %mul3A_48 = arith.mulf %broadcast_in_dim3A_43, %mul3A_47 : vector<512xf32>
    %stack3A = vector.shape_cast %add3A_7 : vector<512xf32> to vector<512x1xf32>
    %stack3A_49 = vector.shape_cast %mul3A_44 : vector<512xf32> to vector<512x1xf32>
    %stack3A_50 = vector.shape_cast %mul3A_45 : vector<512xf32> to vector<512x1xf32>
    %stack3A_51 = vector.shape_cast %sqrt3A_41 : vector<512xf32> to vector<512x1xf32>
    %stack3A_52 = vector.shape_cast %log3A : vector<512xf32> to vector<512x1xf32>
    %stack3A_53 = vector.shape_cast %sqrt3A : vector<512xf32> to vector<512x1xf32>
    %stack3A_54 = vector.shape_cast %broadcast_in_dim3A_43 : vector<512xf32> to vector<512x1xf32>
    %stack3A_55 = vector.shape_cast %mul3A_48 : vector<512xf32> to vector<512x1xf32>
    %stack3A_56 = tpu.concatenate %stack3A, %stack3A_49, %stack3A_50, %stack3A_51, %stack3A_52, %stack3A_53, %stack3A_54, %stack3A_55 in 1 : vector<512x1xf32>, vector<512x1xf32>, vector<512x1xf32>, vector<512x1xf32>, vector<512x1xf32>, vector<512x1xf32>, vector<512x1xf32>, vector<512x1xf32> -> vector<512x8xf32>
    %iota3A_57 = tpu.iota {dimensions = array<i32: 1>} : vector<512x104xi32>
    %get3A_58 = arith.constant 0 : index
    %get3A_59 = vector.load %arg4[%get3A_58] : memref<512xi32, #tpu.memory_space<vmem>>, vector<512xi32>
    %broadcast_in_dim3A_60 = vector.shape_cast %get3A_59 : vector<512xi32> to vector<512x1xi32>
    %eq3A_61 = vector.broadcast %broadcast_in_dim3A_60 : vector<512x1xi32> to vector<512x104xi32>
    %eq3A_62 = arith.cmpi eq, %eq3A_61, %iota3A_57 : vector<512x104xi32>
    %convert_element_type3A_63 = arith.extui %eq3A_62 : vector<512x104xi1> to vector<512x104xi32>
    %convert_element_type3A_64 = arith.sitofp %convert_element_type3A_63 : vector<512x104xi32> to vector<512x104xf32>
    %get3A_65 = arith.constant 0 : index
    %get3A_66 = vector.load %arg5[%get3A_65] : memref<512xi32, #tpu.memory_space<vmem>>, vector<512xi32>
    %broadcast_in_dim3A_67 = vector.shape_cast %get3A_66 : vector<512xi32> to vector<512x1xi32>
    %eq3A_68 = vector.broadcast %broadcast_in_dim3A_67 : vector<512x1xi32> to vector<512x104xi32>
    %eq3A_69 = arith.cmpi eq, %eq3A_68, %iota3A_57 : vector<512x104xi32>
    %convert_element_type3A_70 = arith.extui %eq3A_69 : vector<512x104xi1> to vector<512x104xi32>
    %convert_element_type3A_71 = arith.sitofp %convert_element_type3A_70 : vector<512x104xi32> to vector<512x104xf32>
    %concatenate3A = tpu.concatenate %convert_element_type3A_64, %convert_element_type3A_71 in 1 : vector<512x104xf32>, vector<512x104xf32> -> vector<512x208xf32>
    %get3A_72 = arith.constant 0 : index
    %get3A_73 = arith.constant 0 : index
    %get3A_74 = vector.load %arg6[%get3A_72, %get3A_73] : memref<208x256xf32, #tpu.memory_space<vmem>>, vector<208x256xf32>
    %dot_general3A = arith.constant dense<0.000000e+00> : vector<512x256xf32>
    %dot_general3A_75 = tpu.matmul %concatenate3A, %get3A_74, %dot_general3A {dimension_numbers = #tpu.dot_dimension_numbers<[1], [0], [0], [1], [0, 0, 1, 1], [], []>, transpose_lhs_hint = false} : vector<512x208xf32>, vector<208x256xf32>, vector<512x256xf32> -> vector<512x256xf32>
    %get3A_76 = arith.constant 0 : index
    %get3A_77 = arith.constant 0 : index
    %get3A_78 = vector.load %arg7[%get3A_76, %get3A_77] : memref<256x1280xf32, #tpu.memory_space<vmem>>, vector<256x1280xf32>
    %dot_general3A_79 = arith.constant dense<0.000000e+00> : vector<512x1280xf32>
    %dot_general3A_80 = tpu.matmul %dot_general3A_75, %get3A_78, %dot_general3A_79 {dimension_numbers = #tpu.dot_dimension_numbers<[1], [0], [0], [1], [0, 0, 1, 1], [], []>, transpose_lhs_hint = false} : vector<512x256xf32>, vector<256x1280xf32>, vector<512x1280xf32> -> vector<512x1280xf32>
    %broadcast_in_dim3A_81 = vector.shape_cast %mul3A_40 : vector<512xf32> to vector<512x1xf32>
    %get3A_82 = arith.constant 0 : index
    %get3A_83 = arith.constant 0 : index
    %get3A_84 = vector.load %arg8[%get3A_82, %get3A_83] : memref<56x1280xf32, #tpu.memory_space<vmem>>, vector<56x1280xf32>
    %dot_general3A_85 = arith.constant dense<0.000000e+00> : vector<512x1280xf32>
    %dot_general3A_86 = tpu.matmul %select_n3A_25, %get3A_84, %dot_general3A_85 {dimension_numbers = #tpu.dot_dimension_numbers<[1], [0], [0], [1], [0, 0, 1, 1], [], []>, transpose_lhs_hint = false} : vector<512x56xf32>, vector<56x1280xf32>, vector<512x1280xf32> -> vector<512x1280xf32>
    %mul3A_87 = vector.broadcast %broadcast_in_dim3A_81 : vector<512x1xf32> to vector<512x1280xf32>
    %mul3A_88 = arith.mulf %mul3A_87, %dot_general3A_86 : vector<512x1280xf32>
    %get3A_89 = arith.constant 0 : index
    %get3A_90 = arith.constant 0 : index
    %get3A_91 = vector.load %arg9[%get3A_89, %get3A_90] : memref<8x1280xf32, #tpu.memory_space<vmem>>, vector<8x1280xf32>
    %dot_general3A_92 = arith.constant dense<0.000000e+00> : vector<512x1280xf32>
    %dot_general3A_93 = tpu.matmul %stack3A_56, %get3A_91, %dot_general3A_92 {dimension_numbers = #tpu.dot_dimension_numbers<[1], [0], [0], [1], [0, 0, 1, 1], [], []>, transpose_lhs_hint = false} : vector<512x8xf32>, vector<8x1280xf32>, vector<512x1280xf32> -> vector<512x1280xf32>
    %add3A_94 = arith.addf %mul3A_88, %dot_general3A_93 : vector<512x1280xf32>
    %add3A_95 = arith.addf %dot_general3A_80, %add3A_94 : vector<512x1280xf32>
    %reshape3A = vector.shape_cast %add3A_95 : vector<512x1280xf32> to vector<512x10x128xf32>
    %iota3A_96 = tpu.iota {dimensions = array<i32: 1>} : vector<512x16xi32>
    %broadcast_in_dim3A_97 = vector.shape_cast %sqrt3A : vector<512xf32> to vector<512x1xf32>
    %get3A_98 = arith.constant 0 : index
    %get3A_99 = vector.load %arg10[%get3A_98] : memref<16xf32, #tpu.memory_space<vmem>>, vector<16xf32>
    %broadcast_in_dim3A_100 = vector.shape_cast %get3A_99 : vector<16xf32> to vector<1x16xf32>
    %sub3A_101 = vector.broadcast %broadcast_in_dim3A_97 : vector<512x1xf32> to vector<512x16xf32>
    %sub3A_102 = vector.broadcast %broadcast_in_dim3A_100 : vector<1x16xf32> to vector<512x16xf32>
    %sub3A_103 = arith.subf %sub3A_101, %sub3A_102 : vector<512x16xf32>
    %abs3A = math.absf %sub3A_103 : vector<512x16xf32>
    %jit3A_104 = arith.constant 9.99999993E-9 : f32
    %max3A = vector.broadcast %jit3A_104 : f32 to vector<512x16xf32>
    %max3A_105 = arith.maximumf %max3A, %abs3A : vector<512x16xf32>
    %div3A_106 = arith.constant 1.000000e+00 : f32
    %div3A_107 = vector.broadcast %div3A_106 : f32 to vector<512x16xf32>
    %div3A_108 = arith.divf %div3A_107, %max3A_105 : vector<512x16xf32>
    %lt3A_109 = arith.constant 10 : i32
    %lt3A_110 = vector.broadcast %lt3A_109 : i32 to vector<512x16xi32>
    %lt3A_111 = arith.cmpi slt, %iota3A_96, %lt3A_110 : vector<512x16xi32>
    %jit3A_112 = arith.constant -1.000000e+30 : f32
    %broadcast_in_dim3A_113 = vector.broadcast %jit3A_112 : f32 to vector<512x16xf32>
    %select_n3A_114 = arith.select %lt3A_111, %div3A_108, %broadcast_in_dim3A_113 : vector<512x16xi1>, vector<512x16xf32>
    %reduce_max3A = arith.constant dense<0xFF800000> : vector<512xf32>
    %reduce_max3A_115 = vector.multi_reduction <maximumf>, %select_n3A_114, %reduce_max3A [1] : vector<512x16xf32> to vector<512xf32>
    %broadcast_in_dim3A_116 = vector.shape_cast %reduce_max3A_115 : vector<512xf32> to vector<512x1xf32>
    %sub3A_117 = vector.broadcast %broadcast_in_dim3A_116 : vector<512x1xf32> to vector<512x16xf32>
    %sub3A_118 = arith.subf %select_n3A_114, %sub3A_117 : vector<512x16xf32>
    %exp3A_119 = math.exp %sub3A_118 : vector<512x16xf32>
    %reduce_sum3A = arith.constant dense<0.000000e+00> : vector<512xf32>
    %reduce_sum3A_120 = vector.multi_reduction <add>, %exp3A_119, %reduce_sum3A [1] : vector<512x16xf32> to vector<512xf32>
    %broadcast_in_dim3A_121 = vector.shape_cast %reduce_sum3A_120 : vector<512xf32> to vector<512x1xf32>
    %div3A_122 = vector.broadcast %broadcast_in_dim3A_121 : vector<512x1xf32> to vector<512x16xf32>
    %div3A_123 = arith.divf %exp3A_119, %div3A_122 : vector<512x16xf32>
    %slice3A = vector.extract_strided_slice %div3A_123 {offsets = [0, 0], sizes = [512, 10], strides = [1, 1]} : vector<512x16xf32> to vector<512x10xf32>
    %broadcast_in_dim3A_124 = vector.shape_cast %slice3A : vector<512x10xf32> to vector<512x10x1xf32>
    %mul3A_125 = vector.broadcast %broadcast_in_dim3A_124 : vector<512x10x1xf32> to vector<512x10x128xf32>
    %mul3A_126 = arith.mulf %reshape3A, %mul3A_125 : vector<512x10x128xf32>
    %reduce_sum3A_127 = arith.constant dense<0.000000e+00> : vector<512x128xf32>
    %reduce_sum3A_128 = vector.multi_reduction <add>, %mul3A_126, %reduce_sum3A_127 [1] : vector<512x10x128xf32> to vector<512x128xf32>
    %mul3A_129 = arith.mulf %get3A_0, %div3A_9 : vector<512xf32>
    %mul3A_130 = arith.mulf %get3A_2, %div3A_9 : vector<512xf32>
    %mul3A_131 = arith.mulf %get3A_4, %div3A_9 : vector<512xf32>
    %broadcast_in_dim3A_132 = vector.shape_cast %mul3A_129 : vector<512xf32> to vector<512x1xf32>
    %mul3A_133 = vector.broadcast %broadcast_in_dim3A_132 : vector<512x1xf32> to vector<512x128xf32>
    %mul3A_134 = arith.mulf %mul3A_133, %reduce_sum3A_128 : vector<512x128xf32>
    %broadcast_in_dim3A_135 = vector.shape_cast %mul3A_130 : vector<512xf32> to vector<512x1xf32>
    %mul3A_136 = vector.broadcast %broadcast_in_dim3A_135 : vector<512x1xf32> to vector<512x128xf32>
    %mul3A_137 = arith.mulf %mul3A_136, %reduce_sum3A_128 : vector<512x128xf32>
    %broadcast_in_dim3A_138 = vector.shape_cast %mul3A_131 : vector<512xf32> to vector<512x1xf32>
    %mul3A_139 = vector.broadcast %broadcast_in_dim3A_138 : vector<512x1xf32> to vector<512x128xf32>
    %mul3A_140 = arith.mulf %mul3A_139, %reduce_sum3A_128 : vector<512x128xf32>
    %concatenate3A_141 = tpu.concatenate %reduce_sum3A_128, %mul3A_134, %mul3A_137, %mul3A_140 in 1 : vector<512x128xf32>, vector<512x128xf32>, vector<512x128xf32>, vector<512x128xf32> -> vector<512x512xf32>
    %swap3A = arith.constant 0 : index
    %swap3A_142 = arith.constant 0 : index
    %swap3A_143 = vector.load %arg11[%swap3A, %swap3A_142] : memref<512x512xf32, #tpu.memory_space<vmem>>, vector<512x512xf32>
    tpu.vector_store %arg11[%swap3A, %swap3A_142], %concatenate3A_141 {strides = array<i32>} : memref<512x512xf32, #tpu.memory_space<vmem>>, vector<512x512xf32>,
    return
  }
  func.func @transform_0(%arg0: i32) -> i32 {
    %c0_i32 = arith.constant 0 : i32
    return %arg0 : i32
  }
  func.func @transform_1(%arg0: i32) -> i32 {
    %c0_i32 = arith.constant 0 : i32
    return %arg0 : i32
  }
  func.func @transform_2(%arg0: i32) -> i32 {
    %c0_i32 = arith.constant 0 : i32
    return %arg0 : i32
  }
  func.func @transform_3(%arg0: i32) -> i32 {
    %c0_i32 = arith.constant 0 : i32
    return %arg0 : i32
  }
  func.func @transform_4(%arg0: i32) -> i32 {
    %c0_i32 = arith.constant 0 : i32
    return %arg0 : i32
  }
  func.func @transform_5(%arg0: i32) -> (i32, i32) {
    %c0_i32 = arith.constant 0 : i32
    %c0_i32_0 = arith.constant 0 : i32
    %c0_i32_1 = arith.constant 0 : i32
    return %c0_i32, %c0_i32_0 : i32, i32
  }
  func.func @transform_6(%arg0: i32) -> (i32, i32) {
    %c0_i32 = arith.constant 0 : i32
    %c0_i32_0 = arith.constant 0 : i32
    %c0_i32_1 = arith.constant 0 : i32
    return %c0_i32, %c0_i32_0 : i32, i32
  }
  func.func @transform_7(%arg0: i32) -> (i32, i32) {
    %c0_i32 = arith.constant 0 : i32
    %c0_i32_0 = arith.constant 0 : i32
    %c0_i32_1 = arith.constant 0 : i32
    return %c0_i32, %c0_i32_0 : i32, i32
  }
  func.func @transform_8(%arg0: i32) -> (i32, i32) {
    %c0_i32 = arith.constant 0 : i32
    %c0_i32_0 = arith.constant 0 : i32
    %c0_i32_1 = arith.constant 0 : i32
    return %c0_i32, %c0_i32_0 : i32, i32
  }
  func.func @transform_9(%arg0: i32) -> i32 {
    %c0_i32 = arith.constant 0 : i32
    %c0_i32_0 = arith.constant 0 : i32
    return %c0_i32 : i32
  }
  func.func @transform_10(%arg0: i32) -> (i32, i32) {
    %c0_i32 = arith.constant 0 : i32
    %c0_i32_0 = arith.constant 0 : i32
    return %arg0, %c0_i32 : i32, i32
  }
}

</mosaic_0001>

<sc_bundles>
// kernel: scatter_offload_async_start
scs
__scs_entry_jumppad:
0x0: {  	(pc) =	sbr.rel $0x88, $3  }
0x1: {  	(tag) =	ssettag $0x0;
	lr =	simm.s32 $0x1  }
0x2: {  	[smem:$0x3F8F] =	sst lr;
	_ =	strace $0xD0000000  }
0x3: {  	_ = 	snop  }
0x4: {  	_ = 	snop  }
0x5: {  	_ = 	snop  }
0x6: {  	_ = 	snop  }
0x7: {  	_ = 	snop  }
__scs_overlays_trampoline_lowered:
0x8: {  	[smem:$0x3F9E] =	sst s0  }
0x9: {  	[smem:$0x3F9F] =	sst s1  }
0xa: {  	[smem:$0x3FA0] =	sst s2  }
0xb: {  	[smem:$0x3FA1] =	sst s3  }
0xc: {  	[smem:$0x3FA2] =	sst s4  }
0xd: {  	[smem:$0x3FA3] =	sst s5  }
0xe: {  	[smem:$0x3FA4] =	sst s6  }
0xf: {  	[smem:$0x3FA5] =	sst s7  }
0x10: {  	[smem:$0x3FA6] =	sst s8  }
0x11: {  	[smem:$0x3FA7] =	sst s9;
	s0 =	simm.s32 @!p0 $0x0  }
0x12: {  	s1 =	sld [smem:$0x3F8D];
	s0 =	simm.s32 @p0 $0x1  }
0x13: {  	[smem:$0x3FA8] =	sst s0;
	s0 =	simm.s32 @!p1 $0x0  }
0x14: {  	s2 =	sld [smem:$0x3F8C];
	s0 =	simm.s32 @p1 $0x1  }
0x15: {  	[smem:$0x3FA9] =	sst s0;
	s0 =	simm.s32 @!p2 $0x0  }
0x16: {  	s3 =	sld [smem:$0x3FDB];
	s0 =	simm.s32 @p2 $0x1  }
0x17: {  	s4 =	simm.s32 $0x1BF5;
	[smem:$0x3FAB] =	sst s0  }
0x18: {  	s0 =	sld [smem:$0x3F8E];
	_ =	swait.ge [sflag:s4], $0x0  }
0x19: {  	s7 =	sld [smem:$0x3F8F]  }
0x1a: {  	s8 =	sadd.s32 $0xFFFFE003, lr  }
0x1b: {  	s9 =	sadd.s32 $0xFFFFFEF7, lr;
	s5 =	simm.s32 $0xFFFFFFFF;
	p2 =	slt.u32 s8, $0xFFFFF086  }
0x1c: {  	p1 =	slt.u32 s9, $0xF7A;
	s5 =	simm.s32 @!p2 $0x0  }
0x1d: {  	s5 =	simm.s32 @p1 $0x1;
	p0 =	seq.s32 s7, s2  }
0x1e: {  	s7 =	smul.u32 @!p0 $0xF7A, s2;
	p2 =	seq.s32 @!p0 s5, $0x0  }
0x1f: {  	s9 =	smul.u32 $0xF7A, s1;
	s8 =	simm.s32 @!p0 $0x1BF5;
	p2 =	por !p2, p0  }
0x20: {  	[sflag:s8] =	ssyncset.s32 @!p0 $0xFFFFF086;
	s6 =	sadd.s32 @!p0 s3, s7;
	s7 =	simm.s32 @!p0 $0x108  }
0x21: {  	s3 =	sadd.s32 s3, s9;
	s6 =	sadd.s32 @!p0 $0x88, s6;
	s7 =	simm.s32 @p2 $0x1082  }
0x22: {  	[simem:s7], [sflag:s8] =	dma.local @!p0 [hbm:s6], $0xF7A  }
0x23: {  	s9 =	sor.u32 $0xD0000000, s2;
	s6 =	simm.s32 $0x108;
	_ =	swait.ge @!p0 [sflag:s8], $0x0  }
0x24: {  	s3 =	sadd.s32 $0x88, s3;
	s6 =	simm.s32 @!p1 $0x1082;
	[sflag:s4] =	ssyncset.s32 $0xFFFFF086  }
0x25: {  	[simem:s6], [sflag:s4] =	dma.local [hbm:s3], $0xF7A  }
0x26: {  	[smem:$0x3F8F] =	sst s1;
	(tag) =	ssettag s2;
	_ =	strace s9  }
0x27: {  	s1 =	sld [smem:$0x3F9F]  }
0x28: {  	s2 =	sld [smem:$0x3FA0]  }
0x29: {  	s4 =	sld [smem:$0x3FA2]  }
0x2a: {  	p0 =	seq.s32 s5, $0x0;
	s5 =	sld [smem:$0x3FA3]  }
0x2b: {  	s6 =	sld [smem:$0x3FA4]  }
0x2c: {  	s7 =	sld [smem:$0x3FA5]  }
0x2d: {  	s3 =	simm.s32 $0x108;
	s8 =	sld [smem:$0x3FA6]  }
0x2e: {  	s3 =	simm.s32 @!p0 $0x1082;
	s9 =	sld [smem:$0x3FA7]  }
0x2f: {  	lr =	sadd.s32 s0, s3;
	s0 =	sld [smem:$0x3F9E]  }
0x30: {  	s3 =	sld [smem:$0x3FA1]  }
0x31: {  	[smem:$0x3FAA] =	sst s10  }
0x32: {  	s10 =	sld [smem:$0x3FA8];
	_ =	sdelay $0x3  }
0x33: {  	p0 =	seq.s32 s10, $0x1;
	s10 =	sld [smem:$0x3FAA];
	_ =	sdelay $0x3  }
0x34: {  	[smem:$0x3FAA] =	sst s10  }
0x35: {  	s10 =	sld [smem:$0x3FA9];
	_ =	sdelay $0x3  }
0x36: {  	p1 =	seq.s32 s10, $0x1;
	s10 =	sld [smem:$0x3FAA];
	_ =	sdelay $0x3  }
0x37: {  	[smem:$0x3FAA] =	sst s10  }
0x38: {  	s10 =	sld [smem:$0x3FAB]  }
0x39: {  	_ = 	snop;
	(pc) =	sbr.ind lr, $3  }
0x3a: {  	_ = 	snop  }
0x3b: {  	_ = 	snop  }
0x3c: {  	p2 =	seq.s32 s10, $0x1;
	s10 =	sld [smem:$0x3FAA]  }
0x3d: {  	_ =	shalt  }
0x3e: {  	_ =	shalt  }
0x3f: {  	_ =	shalt  }
0x40: {  	_ =	shalt  }
0x41: {  	_ =	shalt  }
0x42: {  	_ =	shalt  }
0x43: {  	_ =	shalt  }
0x44: {  	_ =	shalt  }
0x45: {  	_ =	shalt  }
0x46: {  	_ =	shalt  }
0x47: {  	_ =	shalt  }
0x48: {  	_ =	shalt  }
0x49: {  	_ =	shalt  }
0x4a: {  	_ =	shalt  }
0x4b: {  	_ =	shalt  }
0x4c: {  	_ =	shalt  }
0x4d: {  	_ =	shalt  }
0x4e: {  	_ =	shalt  }
0x4f: {  	_ =	shalt  }
0x50: {  	_ =	shalt  }
0x51: {  	_ =	shalt  }
0x52: {  	_ =	shalt  }
0x53: {  	_ =	shalt  }
0x54: {  	_ =	shalt  }
0x55: {  	_ =	shalt  }
0x56: {  	_ =	shalt  }
0x57: {  	_ =	shalt  }
0x58: {  	_ =	shalt  }
0x59: {  	_ =	shalt  }
0x5a: {  	_ =	shalt  }
0x5b: {  	_ =	shalt  }
0x5c: {  	_ =	shalt  }
0x5d: {  	_ =	shalt  }
0x5e: {  	_ =	shalt  }
0x5f: {  	_ =	shalt  }
0x60: {  	_ =	shalt  }
0x61: {  	_ =	shalt  }
0x62: {  	_ =	shalt  }
0x63: {  	_ =	shalt  }
0x64: {  	_ =	shalt  }
0x65: {  	_ =	shalt  }
0x66: {  	_ =	shalt  }
0x67: {  	_ =	shalt  }
0x68: {  	_ =	shalt  }
0x69: {  	_ =	shalt  }
0x6a: {  	_ =	shalt  }
0x6b: {  	_ =	shalt  }
0x6c: {  	_ =	shalt  }
0x6d: {  	_ =	shalt  }
0x6e: {  	_ =	shalt  }
0x6f: {  	_ =	shalt  }
0x70: {  	_ =	shalt  }
0x71: {  	_ =	shalt  }
0x72: {  	_ =	shalt  }
0x73: {  	_ =	shalt  }
0x74: {  	_ =	shalt  }
0x75: {  	_ =	shalt  }
0x76: {  	_ =	shalt  }
0x77: {  	_ =	shalt  }
0x78: {  	_ =	shalt  }
0x79: {  	_ =	shalt  }
0x7a: {  	_ =	shalt  }
0x7b: {  	_ =	shalt  }
0x7c: {  	_ =	shalt  }
0x7d: {  	_ =	shalt  }
0x7e: {  	_ =	shalt  }
0x7f: {  	_ =	shalt  }
0x80: {  	_ =	shalt  }
0x81: {  	_ =	shalt  }
0x82: {  	_ =	shalt  }
0x83: {  	_ =	shalt  }
0x84: {  	_ =	shalt  }
0x85: {  	_ =	shalt  }
0x86: {  	_ =	shalt  }
0x87: {  	_ =	shalt  }
.Lfunc_end0:
.L_simem_size_0:
called_computation_lowered:
.L_overlay_start_0:
0x88: {  	s2 =	sld [smem:$0x3FD9]  }
0x89: {  	s3 =	sld [smem:$0x3FFE];
	_ =	sdelay $0x1  }
0x8a: {  	s1 =	srdreg.scid  }
0x8b: {  	s0 =	sand.u32 $0x1, s1  }
0x8c: {  	s13 =	sshll.u32 s0, $0xA;
	s2 =	sadd.s32 s3, s2  }
0x8d: {  	s2 =	sadd.s32 s2, s13  }
0x8e: {  	[smem:$0x3FB6] =	sst s2  }
0x8f: {  	_ = 	snop  }
0x90: {  	s2 =	sld [smem:$0x3FD0];
	_ =	sdelay $0x2  }
0x91: {  	s14 =	simm.s32 $0xA;
	s4 =	simm.s32 $0x10  }
0x92: {  	[smem:s4], [sflag:s14] =	dma.local [hbm:s2], $0x1  }
0x93: {  	_ =	swait.eq [sflag:s14], $0x1  }
0x94: {  	[sflag:s14] =	ssyncset.done $0x0  }
0x95: {  	s15 =	sld [smem:$0x10];
	[sflag:s14] =	ssyncadd.s32 $0xFFFFFFFF  }
0x96: {  	s16 =	sld [smem:$0x11];
	(tm) =	ssettm $0x1  }
0x97: {  	s17 =	sld [smem:$0x3FFB];
	_ =	sdelay $0x3  }
0x98: {  	_ =	strace s17  }
0x99: {  	s4 =	sld [smem:$0x3FFC];
	_ =	sdelay $0x3  }
0x9a: {  	_ =	strace s4  }
0x9b: {  	s4 =	sld [smem:$0x3FFD];
	_ =	sdelay $0x3  }
0x9c: {  	_ =	strace s4  }
0x9d: {  	_ =	strace $0x8FFFFFFF  }
0x9e: {  	s18 =	sld [smem:$0x3FDB];
	_ =	sdelay $0x1  }
0x9f: {  	s5 =	simm.s32 $_scs_section_size  }
0xa0: {  	s6 =	simm.s32 $_size__tile_overlayer_lowered;
	s7 =	simm.s32 $_tile_overlayer_lowered  }
0xa1: {  	s21 =	simm.s32 $0x1BFF;
	s20 =	sshll.u32 s7, $0x1;
	s4 =	sadd.s32 s5, s18  }
0xa2: {  	s8 =	simm.s32 $0x0;
	s19 =	sshll.u32 s6, $0x1;
	s6 =	sadd.s32 s20, s4  }
0xa3: {  	[timem:s8], [sflag:s21] =	dma.local [hbm:s6], s19  }
0xa4: {  	_ =	swait.ge [sflag:s21], s19  }
0xa5: {  	s5 =	ssub.s32 $0x0, s19;
	[sflag:s21] =	ssyncset.done $0x0  }
0xa6: {  	[sflag:s21] =	ssyncadd.s32 s5;
	_ =	sdelay $0x1  }
0xa7: {  	s22 =	simm.s32 $0x1B8B  }
0xa8: {  	_ =	swait.ge [sflag:s22], $0x1  }
0xa9: {  	[sflag:s22] =	ssyncset.done $0x0  }
0xaa: {  	s23 =	sld [smem:$0x3FFE];
	[sflag:s22] =	ssyncadd.s32 $0xFFFFFFFF  }
0xab: {  	s25 =	simm.s32 $0x1B8E;
	s24 =	sld [smem:$0x0]  }
0xac: {  	s26 =	simm.s32 $execute0_lowered;
	[smem:$0x3FD2] =	sst s25  }
0xad: {  	s7 =	sshll.u32 s26, $0x1;
	_ =	strace $0x80000046;
	[dreg:$0x1] =	wrdreg $0xFFFFFFFF  }
0xae: {  	s28 =	simm.s32 $_size_execute0_lowered;
	s4 =	sadd.s32 s4, s7;
	[dreg:$0x0] =	wrdreg $0x0  }
0xaf: {  	s7 =	sshll.u32 s28, $0x1;
	[dreg:$0x2] =	wrdreg s4  }
0xb0: {  	[dreg:$0x3] =	wrdreg s7  }
0xb1: {  	[dreg:$0x4] =	wrdreg $0xC0  }
0xb2: {  	_ =	task [dreg:s8], $0x5FFFF  }
0xb3: {  	[dreg:$0x1] =	wrdreg $0xFFFFFFFF  }
0xb4: {  	[dreg:$0x0] =	wrdreg $0x60  }
0xb5: {  	[dreg:$0x2] =	wrdreg s23  }
0xb6: {  	[dreg:$0x3] =	wrdreg s15  }
0xb7: {  	[dreg:$0x4] =	wrdreg s16  }
0xb8: {  	[dreg:$0x5] =	wrdreg s1  }
0xb9: {  	[dreg:$0x6] =	wrdreg s24  }
0xba: {  	[dreg:$0x7] =	wrdreg $0x9  }
0xbb: {  	_ =	task.clear_ibuf [dreg:s8], $0x8FFFF;
	_ =	strace $0x90000046  }
0xbc: {  	s29 =	simm.s32 $0x9;
	_ =	strace $0x80000048  }
0xbd: {  	_ =	swait.ge [sflag:s29], $0x1  }
0xbe: {  	[sflag:s29] =	ssyncadd.s32 $0xFFFFFFFF  }
0xbf: {  	_ =	strace $0x90000048  }
0xc0: {  	_ =	sfence  }
0xc1: {  	s30 =	sld [smem:$0x0];
	_ =	sdelay $0x2  }
0xc2: {  	s31 =	sshll.u32 s1, $0xD;
	s1 =	sshrl.u32 s1, $0x2  }
0xc3: {  	s3 =	sand.u32 $0x4000, s31;
	s1 =	sadd.s32 s1, s30  }
0xc4: {  	s0 =	sor.u32 s3, s0;
	s1 =	sshll.u32 s1, $0x11  }
0xc5: {  	s0 =	sor.u32 s1, s0  }
0xc6: {  	s0 =	sadd.s32 $0x8F2B, s0  }
0xc7: {  	[sflag:s0] =	ssyncadd.remote.s32 $0x1  }
0xc8: {  	_ =	sfence.sel $0xFFFF  }
0xc9: {  	[dreg:$0x0] =	wrdreg $0xFFFFFFFF;
	(pc) =	sbr.abs _section_cstart, $3  }
0xca: {  	[dreg:$0x1] =	wrdreg $0xFFFFFFFF  }
0xcb: {  	_ =	task.clear_ibuf [dreg:s8], $0x2FFFF;
	_ =	strace $0x9FFFFFFF  }
0xcc: {  	(tm) =	ssettm $0x7FFFFFFF  }
0xcd: {  	_ =	shalt  }
tec
execute0_lowered:
.L_overlay_start_1:
0x0: {  	(tag) =	ssettag $0x1  }
0x1: {  	s3 =	rddreg [dreg:$0x0]  }
0x2: {  	s0 =	rddreg [dreg:$0x1]  }
0x3: {  	s4 =	rddreg [dreg:$0x2]  }
0x4: {  	s5 =	rddreg [dreg:$0x3];
	_ =	strace $0x80000047;
	s1 =	simm.s32 $0x1  }
0x5: {  	s2 =	simm.s32 $0x408;
	v0 =	vimm.s32 $0x0;
	[sflag:s1] =	ssyncpa.u1 $0x0  }
0x6: {  	[tilespmem:s2+$0x70] =	vst v0  }
0x7: {  	[tilespmem:s2+$0x60] =	vst v0  }
0x8: {  	[tilespmem:s2+$0x50] =	vst v0  }
0x9: {  	[tilespmem:s2+$0x40] =	vst v0  }
0xa: {  	[tilespmem:s2+$0x30] =	vst v0  }
0xb: {  	s1 =	sadd.s32 $0x11A9200, s3;
	[tilespmem:s2+$0x20] =	vst v0  }
0xc: {  	s6 =	sadd.s32 $0x1200, s3;
	s7 =	sand.u32 $0x1, s5;
	s3 =	simm.s32 $0x40;
	[tilespmem:s2+$0x10] =	vst v0  }
.LBB2_1:
0xd: {  	s3 =	sadd.s32 $0x40, s3;
	[tilespmem:s2+$0x0] =	vst v0;
	s2 =	sadd.s32 $0x80, s2  }
0xe: {  	p0 =	slt.u32 s3, $0x3100;
	[tilespmem:s2+$0x70] =	vst v0  }
0xf: {  	[tilespmem:s2+$0x60] =	vst v0  }
.Ltmp0:
0x10: {  	[tilespmem:s2+$0x50] =	vst v0;
	(pc) =	sbr.rel @p0 .LBB2_1-.Ltmp0, $4  }
0x11: {  	[tilespmem:s2+$0x40] =	vst v0  }
0x12: {  	[tilespmem:s2+$0x30] =	vst v0  }
0x13: {  	[tilespmem:s2+$0x20] =	vst v0  }
0x14: {  	[tilespmem:s2+$0x10] =	vst v0  }
0x15: {  	s10 =	stileid.u32  }
0x16: {  	s3 =	smul.u32 $0xBC, s10  }
0x17: {  	s5 =	smin.u32 s10, $0x6  }
0x18: {  	s3 =	sadd.s32 s5, s3  }
0x19: {  	p0 =	slt.u32 s10, $0x6;
	s11 =	smul.u32 $0x30, s3;
	s3 =	simm.s32 $0x2370  }
0x1a: {  	s3 =	simm.s32 @!p0 $0x2340  }
0x1b: {  	s3 =	sadd.s32 s3, s11  }
0x1c: {  	s8 =	smin.u32 s3, $0x23500  }
0x1d: {  	s26 =	simm.s32 $0x2;
	s9 =	simm.s32 $0x9;
	s3 =	ssub.s32 s8, s11  }
0x1e: {  	s29 =	simm.s32 $0xA;
	s30 =	simm.s32 $0xB;
	p0 =	sgt.s32 s3, $0x0  }
0x1f: {  	[dreg:$0x6] =	wrdreg s7;
	s31 =	smul.u32 $0x46A0, s7;
	s3 =	simm.s32 @!p0 $0x0  }
0x20: {  	s12 =	simm.s32 $0x1;
	s24 =	simm.s32 $0x0;
	s25 =	smulhi.u32 $0x2AAAAAAB, s3  }
0x21: {  	p1 =	por $0x0, $0x0;
	s18 =	simm.s32 $0x80;
	s19 =	simm.s32 $0x400  }
0x22: {  	s20 =	simm.s32 $0xC;
	s21 =	simm.s32 $0x0;
	s28 =	sshrl.u32 s25, $0x3  }
0x23: {  	[tilespmem:s2+$0x0] =	vst v0;
	v0 =	vimm.s32 $0xFFFFFFFF;
	s23 =	simm.s32 $0x0;
	[sflag:s26] =	ssyncpa.u1 $0x0;
	s5 =	smul.u32 $0x30, s28  }
0x24: {  	s16 =	sshll.u32 s10, $0xA;
	[tilespmem:$0xC808] =	vst v0;
	[sflag:s9] =	ssyncpa.u1 $0x0;
	s14 =	sadd.s32 s31, s4  }
.Ltmp1:
0x25: {  	p0 =	sne.s32 s3, s5;
	s3 =	simm.s32 $0x1;
	(pc) =	sbr.rel .LBB2_3-.Ltmp1, $4  }
0x26: {  	s15 =	sadd.s32 s31, s0;
	[dreg:$0x8] =	wrdreg s14;
	s3 =	simm.s32 @!p0 $0x0  }
0x27: {  	[sflag:s29] =	ssyncpa.u1 $0x0;
	[dreg:$0x9] =	wrdreg s15;
	s13 =	sadd.s32 s3, s28  }
0x28: {  	[sflag:s30] =	ssyncpa.u1 $0x0;
	s17 =	sadd.s32 $0x1, s13;
	[dreg:$0x7] =	wrdreg s13  }
0x29: {  	v0 =	vlaneseq.u32;
	s22 =	smov.u32 s11;
	p0 =	por $0x1, $0x1;
	[dreg:$0xa] =	wrdreg s17  }
.LBB2_30:
0x2a: {  	s0 =	sshrl.u32 s0, $0x2  }
.LBB2_32:
0x2b: {  	_ =	swait.ge [sflag:s20], s0  }
0x2c: {  	s30 =	ssub.s32 $0x0, s0;
	v1 =	vmov s26;
	vm0 =	veq.s32 v0, $0x0;
	[sflag:s20] =	ssyncset.done $0x0  }
0x2d: {  	vm15 =	veq.s32 v0, $0x2;
	v1 =	vsel vm0, s31, v1;
	[sflag:s20] =	ssyncadd.s32 s30  }
0x2e: {  	v1 =	vsel vm15, s24, v1;
	[sflag:s20] =	ssyncpa.u1 $0x1  }
0x2f: {  	[tilespmem:$0xC808] =	vst v1  }
.LBB2_33:
0x30: {  	s0 =	sadd.s32 $0x30, s22  }
0x31: {  	s2 =	smov.u32 s11;
	p2 =	slt.s32 s0, s8  }
0x32: {  	s2 =	smov.u32 @p2 s0;
	p2 =	sne.s32 s23, s17  }
.Ltmp2:
0x33: {  	_ = 	snop;
	(pc) =	sbr.rel @!p2 .LBB2_34-.Ltmp2, $4  }
0x34: {  	_ = 	snop  }
0x35: {  	s24 =	smov.u32 s21  }
0x36: {  	s31 =	sadd.s32 $0x1, s23;
	s21 =	smov.u32 s22;
	p0 =	por !p0, !p0  }
0x37: {  	p1 =	por !p1, !p1;
	s23 =	smov.u32 s31;
	s22 =	smov.u32 s2  }
.LBB2_3:
0x38: {  	p2 =	sge.u32 s23, s13  }
0x39: {  	s0 =	smulhi.u32 @!p2 $0xAAAAAAAB, s23  }
0x3a: {  	s2 =	smov.u32 s22;
	p3 =	sgt.s32 @!p2 s22, $0x234D0  }
0x3b: {  	s3 =	sshra.s32 @!p2 s22, $0x1F;
	p3 =	por !p3, p2;
	s0 =	sshrl.u32 @!p2 s0, $0x1  }
0x3c: {  	s3 =	sand.u32 @!p2 s3, s22;
	s2 =	simm.s32 @p3 $0x234D0;
	s0 =	smul.u32 @!p2 $0x3, s0  }
0x3d: {  	s2 =	ssub.s32 @!p2 s2, s3  }
0x3e: {  	s2 =	sadd.s32 @!p2 $0xFFFDCB30, s2;
	s0 =	ssub.s32 @!p2 s23, s0  }
0x3f: {  	s3 =	sshll.u32 @!p2 s2, $0x2;
	p3 =	sgt.s32 @!p2 s2, $0x2F;
	s0 =	smul.u32 @!p2 $0xC0, s0  }
0x40: {  	s4 =	sand.u32 @!p2 $0x7, s22;
	s2 =	ssub.s32 @!p2 $0xC0, s3;
	p3 =	por !p3, p2  }
0x41: {  	s3 =	sshrl.u32 @!p2 s22, $0x3;
	s2 =	sshrl.u32 @!p2 s2, $0x2;
	s0 =	sshrl.u32 @!p2 s0, $0x2  }
0x42: {  	s3 =	sadd.s32 @!p2 s3, s14;
	s2 =	simm.s32 @!p3 $0x0;
	s0 =	sadd.s32 @!p2 $0x10848, s0  }
0x43: {  	[tilespmem:s0], [sflag:$0xA] =	stream.linear.gather @!p2 [hbm4b:s3+s4], s2, $0x38;
	[tilespmem:$0x1C938] =	vst v63  }
0x44: {  	s2 =	sadd.s32 $0xFFFFFFFF, s23  }
0x45: {  	p2 =	sge.u32 s2, s13  }
0x46: {  	p3 =	sgt.s32 @!p2 s21, $0x234D0  }
0x47: {  	s0 =	smov.u32 s21;
	s3 =	sshra.s32 @!p2 s21, $0x1F;
	p3 =	por !p3, p2  }
0x48: {  	s3 =	sand.u32 @!p2 s3, s21;
	s0 =	simm.s32 @p3 $0x234D0  }
0x49: {  	s0 =	ssub.s32 @!p2 s0, s3  }
0x4a: {  	s0 =	sadd.s32 @!p2 $0xFFFDCB30, s0  }
0x4b: {  	s3 =	sshll.u32 @!p2 s0, $0x2  }
0x4c: {  	p3 =	sgt.s32 @!p2 s0, $0x2F;
	s0 =	ssub.s32 @!p2 $0xC0, s3  }
0x4d: {  	p3 =	por !p3, p2;
	s0 =	sshrl.u32 @!p2 s0, $0x2  }
0x4e: {  	s4 =	simm.s32 @!p2 $0xA;
	s3 =	sand.u32 @!p2 $0x1, s2;
	s0 =	simm.s32 @!p3 $0x0  }
0x4f: {  	s3 =	smul.u32 @!p2 $0xC0, s3;
	_ =	swait.ge @!p2 [sflag:s4], s0  }
0x50: {  	s5 =	ssub.s32 @!p2 $0x0, s0;
	[sflag:s4] =	ssyncset.done @!p2 $0x0  }
0x51: {  	s3 =	sshrl.u32 @!p2 s3, $0x2;
	[sflag:s4] =	ssyncadd.s32 @!p2 s5;
	s4 =	sshrl.u32 @!p2 s21, $0x3  }
0x52: {  	s3 =	sadd.s32 @!p2 $0x108D8, s3;
	s5 =	sand.u32 @!p2 $0x7, s21;
	s4 =	sadd.s32 @!p2 s4, s15  }
0x53: {  	[tilespmem:s3], [sflag:$0xB] =	stream.linear.gather @!p2 [hbm4b:s4+s5], s0, $0x38;
	[tilespmem:$0x1C938] =	vst v63  }
0x54: {  	s0 =	ssub.s32 @!p2 $0x23500, s21  }
0x55: {  	p3 =	slt.s32 @!p2 s0, $0x1  }
0x56: {  	p3 =	por p2, p3  }
.Ltmp3:
0x57: {  	_ = 	snop;
	(pc) =	sbr.rel @p3 .LBB2_9-.Ltmp3, $1  }
0x58: {  	_ =	sdelay $0x3  }
0x59: {  	s3 =	smulhi.u32 $0xAAAAAAAB, s2;
	_ =	sdelay $0x1  }
0x5a: {  	s3 =	sshrl.u32 s3, $0x1  }
0x5b: {  	s3 =	smul.u32 $0x3, s3;
	_ =	sdelay $0x1  }
0x5c: {  	s29 =	ssub.s32 s2, s3  }
0x5d: {  	s4 =	simm.s32 $0x1;
	s2 =	smul.u32 $0xC0, s29  }
.Ltmp4:
0x5e: {  	s4 =	simm.s32 @!p0 $0x0;
	(pc) =	sbr.rel .LBB2_6-.Ltmp4, $4  }
0x5f: {  	s30 =	smul.u32 $0x18000, s4  }
0x60: {  	p3 =	slt.s32 @!p2 s0, $0x30;
	s2 =	sshrl.u32 s2, $0x2  }
0x61: {  	p2 =	por !p3, p2;
	s3 =	sshrl.u32 s30, $0x2;
	s31 =	sadd.s32 $0x10848, s2  }
0x62: {  	s0 =	simm.s32 @p2 $0x30;
	s2 =	sor.u32 $0x10938, s3;
	s3 =	simm.s32 $0x0;
	v1 =	vmov s31  }
.LBB2_5:
0x63: {  	p2 =	sge.s32 s3, s0  }
.Ltmp5:
0x64: {  	_ = 	snop;
	(pc) =	sbr.rel @p2 .LBB2_9-.Ltmp5, $2  }
0x65: {  	_ =	sdelay $0x2  }
0x66: {  	s2 =	sadd.s32 $0x2000, s2  }
.LBB2_6:
0x67: {  	p2 =	sle.s32 s0, s3  }
.Ltmp6:
0x68: {  	_ = 	snop;
	(pc) =	sbr.rel @p2 .LBB2_5-.Ltmp6, $2  }
0x69: {  	_ =	sdelay $0x2  }
0x6a: {  	s4 =	smov.u32 s3;
	s3 =	sadd.s32 $0x10, s3  }
0x6b: {  	s5 =	ssub.s32 s0, s4  }
0x6c: {  	p2 =	slt.s32 s5, $0x10  }
0x6d: {  	s5 =	simm.s32 @!p2 $0x10  }
0x6e: {  	v2 =	vmov s5  }
0x6f: {  	vm0 =	vgt.s32 v2, v0;
	_ =	sdelay $0x5  }
0x70: {  	v2 =	vld.idx.msk [tilespmem:v1+s4+$0x0 ss:$0x1], vm0;
	_ =	sdelay $0x2  }
0x71: {  	p2 =	slt.s32 s3, s0;
	s5 =	smov.u32 s0  }
0x72: {  	s9 =	smov.u32 s2;
	s25 =	simm.s32 $0x0;
	s5 =	smov.u32 @p2 s3  }
.LBB2_8:
0x73: {  	(v2sf) =	vpush v2, s25;
	_ =	sdelay $0xe  }
0x74: {  	s25 =	sadd.s32 $0x1, s25;
	s10 =	spop (v2sf)  }
0x75: {  	s31 =	sadd.s32 s25, s4;
	s26 =	sshll.u32 s10, $0x9;
	s10 =	sshll.u32 s10, $0x7  }
0x76: {  	p2 =	slt.s32 s31, s5;
	s26 =	sand.u32 $0xFFFFF000, s26;
	s10 =	sand.u32 $0x380, s10  }
.Ltmp7:
0x77: {  	s10 =	sor.u32 s10, s26;
	(pc) =	sbr.rel @p2 .LBB2_8-.Ltmp7, $4  }
0x78: {  	s10 =	sshrl.u32 s10, $0x3  }
0x79: {  	s10 =	sadd.s32 s6, s10  }
0x7a: {  	[tilespmem:s9], [sflag:$0x9] =	stream.strided.gather [hbm4b:s10+s18], $0x200, s19, s18, $0x38;
	[tilespmem:$0x1C938] =	vst v63  }
0x7b: {  	s9 =	sadd.s32 $0x200, s9  }
.Ltmp8:
0x7c: {  	_ = 	snop;
	(pc) =	sbr.rel .LBB2_5-.Ltmp8, $1  }
0x7d: {  	_ =	sdelay $0x3  }
.LBB2_9:
0x7e: {  	p2 =	slt.u32 s23, $0x2  }
.Ltmp9:
0x7f: {  	_ = 	snop;
	(pc) =	sbr.rel @p2 .LBB2_33-.Ltmp9, $1  }
0x80: {  	_ =	sdelay $0x3  }
0x81: {  	p2 =	sgt.s32 s24, $0x234D0  }
0x82: {  	s0 =	smov.u32 s24;
	s2 =	sshra.s32 s24, $0x1F;
	s3 =	ssub.s32 $0x23500, s24  }
0x83: {  	s0 =	simm.s32 @!p2 $0x234D0;
	s2 =	sand.u32 s2, s24;
	p2 =	slt.s32 s3, $0x30  }
0x84: {  	s0 =	ssub.s32 s0, s2;
	s3 =	simm.s32 @!p2 $0x30  }
0x85: {  	s0 =	sadd.s32 $0xFFFDCB30, s0;
	s25 =	sshll.u32 s3, $0x9  }
0x86: {  	s29 =	simm.s32 $0x9;
	s26 =	sshll.u32 s0, $0x2;
	s2 =	sand.u32 $0x3FFFFE00, s25  }
0x87: {  	p2 =	sgt.s32 s0, $0x2F;
	s28 =	ssub.s32 $0xC0, s26;
	_ =	swait.ge [sflag:s29], s2  }
0x88: {  	s2 =	ssub.s32 $0x0, s2;
	[sflag:s29] =	ssyncset.done $0x0;
	s0 =	sshrl.u32 s28, $0x2  }
0x89: {  	s30 =	simm.s32 $0xB;
	[sflag:s29] =	ssyncadd.s32 s2;
	s0 =	simm.s32 @p2 $0x0  }
0x8a: {  	_ =	swait.ge [sflag:s30], s0  }
0x8b: {  	s0 =	ssub.s32 $0x0, s0;
	[sflag:s30] =	ssyncset.done $0x0  }
0x8c: {  	[sflag:s30] =	ssyncadd.s32 s0  }
0x8d: {  	v1 =	vld [tilespmem:$0xC808];
	_ =	sdelay $0x4  }
0x8e: {  	(v2sf) =	vpush v1, $0x0  }
0x8f: {  	(v2sf) =	vpush v1, $0x1  }
0x90: {  	(v2sf) =	vpush v1, $0x2;
	_ =	sdelay $0x3  }
0x91: {  	s2 =	sadd.s32 $0x30, s24  }
0x92: {  	s3 =	ssub.s32 $0x46A00, s24;
	p2 =	slt.s32 s8, s2  }
0x93: {  	s2 =	smov.u32 @p2 s8;
	p2 =	sgt.s32 s3, $0x0  }
0x94: {  	s25 =	ssub.s32 s2, s24;
	s3 =	simm.s32 @!p2 $0x0  }
0x95: {  	p2 =	slt.s32 s3, s25  }
0x96: {  	s25 =	smov.u32 @p2 s3  }
0x97: {  	s0 =	simm.s32 $0x1;
	p2 =	slt.s32 s25, $0x1  }
.Ltmp10:
0x98: {  	s0 =	simm.s32 @!p1 $0x0;
	(pc) =	sbr.rel @p2 .LBB2_14-.Ltmp10, $4  }
0x99: {  	s4 =	smul.u32 $0xC0, s0  }
0x9a: {  	s2 =	spop (v2sf)  }
0x9b: {  	s31 =	sshrl.u32 s4, $0x2;
	s5 =	spop (v2sf)  }
0x9c: {  	s4 =	sadd.s32 $0x108D8, s31;
	s24 =	spop (v2sf)  }
0x9d: {  	s3 =	smin.u32 s25, $0x10  }
0x9e: {  	v1 =	vmov s3  }
0x9f: {  	vm1 =	vgt.u32 v1, v0  }
0xa0: {  	p3 =	sgt.s32 s25, $0x10  }
.Ltmp11:
0xa1: {  	_ = 	snop;
	(pc) =	sbr.rel @!p3 .LBB2_13-.Ltmp11, $2  }
0xa2: {  	_ =	sdelay $0x2  }
0xa3: {  	s9 =	simm.s32 $0x10;
	s26 =	sadd.s32 $0xFFFFFFF0, s25;
	s3 =	smov.u32 s4;
	vm0 =	vmmov vm1;
	v1 =	vld.msk [tilespmem:s4+$0x0 ss:$0x1], vm1  }
.LBB2_12:
0xa4: {  	s10 =	smin.u32 s26, $0x10;
	s9 =	sadd.s32 $0x10, s9  }
0xa5: {  	v2 =	vmov s10;
	p3 =	slt.s32 s9, s25  }
0xa6: {  	vm1 =	vgt.u32 v2, v0;
	_ =	sdelay $0x1  }
0xa7: {  	v2 =	vshll.u32 v1, $0x6;
	v1 =	vshll.u32 v1, $0x4  }
.Ltmp12:
0xa8: {  	v2 =	vand.u32 $0xFFFFFE00, v2;
	v1 =	vand.u32 $0x70, v1;
	(pc) =	sbr.rel @p3 .LBB2_12-.Ltmp12, $4  }
0xa9: {  	v1 =	vor.u32 v1, v2  }
0xaa: {  	[tilespmem:s3+$0x0] =	vst.msk vm0, v1;
	s3 =	sadd.s32 $0x10, s3;
	vm0 =	vmmov vm1  }
0xab: {  	v1 =	vld.msk [tilespmem:s3+$0x0 ss:$0x1], vm1  }
0xac: {  	s26 =	sadd.s32 $0xFFFFFFF0, s26  }
.LBB2_13:
0xad: {  	_ =	sdelay $0x3  }
0xae: {  	v2 =	vshll.u32 v1, $0x6;
	v1 =	vshll.u32 v1, $0x4  }
0xaf: {  	v2 =	vand.u32 $0xFFFFFE00, v2;
	v1 =	vand.u32 $0x70, v1  }
0xb0: {  	v1 =	vor.u32 v1, v2  }
0xb1: {  	[tilespmem:s3+$0x0] =	vst.msk vm0, v1  }
.LBB2_14:
0xb2: {  	s3 =	sand.u32 $0x1, s23  }
0xb3: {  	s3 =	smul.u32 $0x30, s3  }
0xb4: {  	p3 =	sne.s32 s5, $0xFFFFFFFF  }
0xb5: {  	v1 =	vld.msk @!p3 [tilespmem:s3+$0x108D8], $0x1;
	_ =	sdelay $0x4  }
0xb6: {  	(v2sf) =	vpush @!p3 v1, $0x0;
	_ =	sdelay $0xc  }
.Ltmp13:
0xb7: {  	_ = 	snop;
	(pc) =	sbr.rel @p2 .LBB2_31-.Ltmp13, $4  }
0xb8: {  	_ = 	snop  }
0xb9: {  	s30 =	spop @!p3 (v2sf)  }
0xba: {  	s24 =	simm.s32 @!p3 $0x0;
	s26 =	smov.u32 s30  }
0xbb: {  	[sflag:s20] =	ssyncpa.u1 $0x0;
	s30 =	smov.u32 @p3 s2;
	s26 =	smov.u32 @p3 s5  }
0xbc: {  	v1 =	vld.msk [tilespmem:s4+$0x0], $0x1;
	_ =	sdelay $0x4  }
0xbd: {  	(v2sf) =	vpush v1, $0x0;
	_ =	sdelay $0xd  }
0xbe: {  	s0 =	smul.u32 $0x18000, s0  }
0xbf: {  	s13 =	smov.u32 s8;
	s8 =	smov.u32 s11;
	s5 =	spop (v2sf)  }
0xc0: {  	s2 =	ssub.s32 $0x0, s25;
	s0 =	sshrl.u32 s0, $0x2;
	p2 =	seq.s32 s30, s5  }
0xc1: {  	s29 =	simm.s32 $0x0;
	s28 =	sor.u32 $0x10938, s0;
	p3 =	sgt.s32 @!p2 s30, $0x0  }
0xc2: {  	s0 =	sadd.s32 $0x108D8, s3;
	s3 =	smov.u32 s30;
	p3 =	por !p3, p2  }
0xc3: {  	s4 =	sadd.s32 $0x1, s4;
	s31 =	sadd.s32 $0x1, s2;
	s3 =	simm.s32 @p3 $0x0  }
0xc4: {  	s2 =	simm.s32 @!p2 $0x1;
	s9 =	simm.s32 @!p2 $0x6608;
	s10 =	smin.u32 @!p2 s3, $0x9C270  }
0xc5: {  	p3 =	seq.s32 s31, $0x0;
	s3 =	sand.u32 @!p2 $0xFFFF8, s10;
	s11 =	sadd.s32 @!p2 $0x80, s10  }
0xc6: {  	s14 =	sadd.s32 @!p2 $0x100, s10;
	s15 =	sadd.s32 @!p2 s1, s3;
	s3 =	sand.u32 @!p2 $0x7, s10  }
0xc7: {  	s11 =	sand.u32 @!p2 $0x1FFFF8, s11;
	s14 =	sand.u32 @!p2 $0x1FFFF8, s14;
	s10 =	sadd.s32 @!p2 $0x180, s10  }
0xc8: {  	[tilespmem:s9], [sflag:$0x2] =	stream.linear.gather @!p2 [hbm4b:s15+s3], $0x80, $0x38;
	[tilespmem:$0x1C938] =	vst v63  }
.Ltmp14:
0xc9: {  	s9 =	simm.s32 @!p2 $0x6688;
	s11 =	sadd.s32 @!p2 s1, s11;
	(pc) =	sbr.rel @p3 .LBB2_17-.Ltmp14, $4  }
0xca: {  	[tilespmem:s9], [sflag:$0x2] =	stream.linear.gather @!p2 [hbm4b:s11+s3], $0x80, $0x38;
	[tilespmem:$0x1C938] =	vst v63  }
0xcb: {  	s10 =	sand.u32 @!p2 $0x1FFFF8, s10;
	s9 =	simm.s32 @!p2 $0x6708;
	s11 =	sadd.s32 @!p2 s1, s14  }
0xcc: {  	[tilespmem:s9], [sflag:$0x2] =	stream.linear.gather @!p2 [hbm4b:s11+s3], $0x80, $0x38;
	[tilespmem:$0x1C938] =	vst v63  }
0xcd: {  	s2 =	smov.u32 @p2 s29;
	s10 =	sadd.s32 @!p2 s1, s10;
	s9 =	simm.s32 @!p2 $0x6788  }
.LBB2_16:
0xce: {  	s11 =	smov.u32 s2  }
0xcf: {  	[tilespmem:s9], [sflag:$0x2] =	stream.linear.gather @!p2 [hbm4b:s10+s3], $0x80, $0x38;
	[tilespmem:$0x1C938] =	vst v63  }
0xd0: {  	s31 =	sadd.s32 $0x1, s31;
	s3 =	smov.u32 s5  }
0xd1: {  	p3 =	seq.s32 s31, $0x0;
	v1 =	vld.msk [tilespmem:s4+$0x0], $0x1;
	_ =	sdelay $0x4  }
0xd2: {  	(v2sf) =	vpush v1, $0x0;
	_ =	sdelay $0xe  }
0xd3: {  	s5 =	spop (v2sf)  }
0xd4: {  	p2 =	seq.s32 s3, s5  }
0xd5: {  	p4 =	sgt.s32 @!p2 s3, $0x0  }
0xd6: {  	s9 =	sshll.u32 @!p2 s2, $0xB;
	s2 =	sadd.s32 @!p2 $0x1, s2;
	p4 =	por !p4, p2  }
0xd7: {  	s9 =	sshra.s32 @!p2 s9, $0x2;
	s2 =	smov.u32 @p2 s11;
	s3 =	simm.s32 @p4 $0x0  }
0xd8: {  	s10 =	sadd.s32 @!p2 $0x6608, s9;
	s11 =	sadd.s32 @!p2 $0x6688, s9;
	s14 =	smin.u32 @!p2 s3, $0x9C270  }
0xd9: {  	s15 =	sadd.s32 @!p2 $0x6708, s9;
	s9 =	sadd.s32 @!p2 $0x6788, s9;
	s3 =	sand.u32 @!p2 $0xFFFF8, s14  }
0xda: {  	s17 =	sadd.s32 @!p2 $0x80, s14;
	s7 =	sadd.s32 @!p2 $0x100, s14;
	s20 =	sadd.s32 @!p2 s1, s3  }
0xdb: {  	s3 =	sand.u32 @!p2 $0x7, s14;
	s17 =	sand.u32 @!p2 $0x1FFFF8, s17;
	s7 =	sand.u32 @!p2 $0x1FFFF8, s7  }
0xdc: {  	[tilespmem:s10], [sflag:$0x2] =	stream.linear.gather @!p2 [hbm4b:s20+s3], $0x80, $0x38;
	[tilespmem:$0x1C938] =	vst v63  }
.Ltmp15:
0xdd: {  	s14 =	sadd.s32 @!p2 $0x180, s14;
	s10 =	sadd.s32 @!p2 s1, s17;
	(pc) =	sbr.rel @!p3 .LBB2_16-.Ltmp15, $4  }
0xde: {  	[tilespmem:s11], [sflag:$0x2] =	stream.linear.gather @!p2 [hbm4b:s10+s3], $0x80, $0x38;
	[tilespmem:$0x1C938] =	vst v63  }
0xdf: {  	s7 =	sadd.s32 @!p2 s1, s7;
	s10 =	sand.u32 @!p2 $0x1FFFF8, s14  }
0xe0: {  	[tilespmem:s15], [sflag:$0x2] =	stream.linear.gather @!p2 [hbm4b:s7+s3], $0x80, $0x38;
	[tilespmem:$0x1C938] =	vst v63  }
0xe1: {  	s4 =	sadd.s32 $0x1, s4;
	s10 =	sadd.s32 @!p2 s1, s10  }
.LBB2_17:
0xe2: {  	[tilespmem:s9], [sflag:$0x2] =	stream.linear.gather @!p2 [hbm4b:s10+s3], $0x80, $0x38;
	[tilespmem:$0x1C938] =	vst v63  }
0xe3: {  	s2 =	sshll.u32 s2, $0x9  }
0xe4: {  	s31 =	simm.s32 $0x2;
	s2 =	sand.u32 $0x3FFFFE00, s2  }
.Ltmp16:
0xe5: {  	_ =	swait.ge [sflag:s31], s2;
	(pc) =	sbr.rel .LBB2_18-.Ltmp16, $4  }
0xe6: {  	s11 =	smov.u32 s8;
	s8 =	smov.u32 s13;
	s13 =	rddreg [dreg:$0x7]  }
0xe7: {  	v1 =	vmov s0;
	s0 =	simm.s32 $0x0;
	s4 =	simm.s32 $0x0;
	s14 =	rddreg [dreg:$0x8]  }
0xe8: {  	s2 =	ssub.s32 $0x0, s2;
	[sflag:s31] =	ssyncset.done $0x0;
	s15 =	rddreg [dreg:$0x9]  }
0xe9: {  	s20 =	simm.s32 $0xC;
	s17 =	rddreg [dreg:$0xa];
	[sflag:s31] =	ssyncadd.s32 s2  }
.LBB2_28:
0xea: {  	[tilespmem:s2+$0x0] =	vst v2;
	s29 =	sadd.s32 $0x1, s29  }
.LBB2_29:
0xeb: {  	s4 =	sadd.s32 $0x1, s4  }
0xec: {  	p2 =	sne.s32 s4, s25  }
.Ltmp17:
0xed: {  	_ = 	snop;
	(pc) =	sbr.rel @!p2 .LBB2_30-.Ltmp17, $2  }
0xee: {  	_ =	sdelay $0x2  }
0xef: {  	s28 =	sadd.s32 $0x200, s28;
	s30 =	smov.u32 s31  }
.LBB2_18:
0xf0: {  	_ =	sdelay $0x3  }
0xf1: {  	v2 =	vld.idx.msk [tilespmem:v1+s4+$0x0 ss:$0x1], $0x1;
	_ =	sdelay $0x4  }
0xf2: {  	(v2sf) =	vpush v2, $0x0;
	_ =	sdelay $0xe  }
0xf3: {  	s31 =	spop (v2sf)  }
0xf4: {  	p2 =	sne.s32 s30, s31  }
.Ltmp18:
0xf5: {  	_ = 	snop;
	(pc) =	sbr.rel @p2 .LBB2_22-.Ltmp18, $3  }
0xf6: {  	_ =	sdelay $0x1  }
0xf7: {  	s2 =	sshll.u32 s24, $0xB  }
0xf8: {  	s2 =	sshra.s32 s2, $0x2  }
0xf9: {  	s2 =	sadd.s32 $0x408, s2;
	s3 =	simm.s32 $0x0;
	v2 =	vld [tilespmem:s28+$0x0];
	s5 =	smov.u32 s28  }
.LBB2_20:
0xfa: {  	s3 =	sadd.s32 $0x10, s3  }
0xfb: {  	p2 =	slt.u32 s3, $0x1F0  }
.Ltmp19:
0xfc: {  	_ = 	snop;
	(pc) =	sbr.rel @p2 .LBB2_20-.Ltmp19, $3  }
0xfd: {  	_ =	sdelay $0x1  }
0xfe: {  	s5 =	sadd.s32 $0x10, s5;
	[tilespmem:s2+$0x0] =	vst.add.f32.msk $0xffff, v2;
	s2 =	sadd.s32 $0x10, s2  }
0xff: {  	v2 =	vld [tilespmem:s5+$0x0]  }
.Ltmp20:
0x100: {  	_ = 	snop;
	(pc) =	sbr.rel .LBB2_29-.Ltmp20, $2  }
0x101: {  	_ =	sdelay $0x2  }
0x102: {  	[tilespmem:s2+$0x0] =	vst.add.f32.msk $0xffff, v2  }
.LBB2_22:
0x103: {  	p2 =	seq.s32 s30, s26  }
.Ltmp21:
0x104: {  	_ = 	snop;
	(pc) =	sbr.rel @!p2 .LBB2_23-.Ltmp21, $1  }
0x105: {  	_ =	sdelay $0x3  }
.Ltmp22:
0x106: {  	s2 =	sadd.s32 $0x408, s2;
	(pc) =	sbr.rel .LBB2_26-.Ltmp22, $4  }
0x107: {  	[spmem:s16] =	stream.linear.scatter [tilespmem:s2], [sflag:$0x1], $0x200, $0x38;
	[tilespmem:$0x1C938] =	vst v63  }
0x108: {  	_ =	swait.ge [sflag:s12], $0x200  }
0x109: {  	[sflag:s12] =	ssyncset.done $0x0  }
0x10a: {  	[sflag:s12] =	ssyncadd.s32 $0xFFFFFE00  }
.LBB2_23:
0x10b: {  	s3 =	sshll.u32 s29, $0xB  }
0x10c: {  	s3 =	sshra.s32 s3, $0x2  }
0x10d: {  	s5 =	sadd.s32 $0x6608, s3;
	s3 =	sadd.s32 $0x408, s2  }
0x10e: {  	s10 =	simm.s32 $0x0;
	v2 =	vld [tilespmem:s5+$0x0];
	s9 =	smov.u32 s3  }
.LBB2_24:
0x10f: {  	s10 =	sadd.s32 $0x10, s10  }
0x110: {  	p2 =	slt.u32 s10, $0x1F0  }
.Ltmp23:
0x111: {  	_ = 	snop;
	(pc) =	sbr.rel @p2 .LBB2_24-.Ltmp23, $3  }
0x112: {  	_ =	sdelay $0x1  }
0x113: {  	s5 =	sadd.s32 $0x10, s5;
	[tilespmem:s9+$0x0] =	vst.add.f32.msk $0xffff, v2;
	s9 =	sadd.s32 $0x10, s9  }
0x114: {  	v2 =	vld [tilespmem:s5+$0x0]  }
0x115: {  	_ =	sdelay $0x1  }
0x116: {  	p2 =	sgt.u32 s30, $0x9C270  }
0x117: {  	s5 =	sand.u32 @!p2 $0xFFFF8, s30  }
0x118: {  	s7 =	sand.u32 @!p2 $0x7, s30;
	s5 =	sadd.s32 @!p2 s1, s5;
	[tilespmem:s9+$0x0] =	vst.add.f32.msk $0xffff, v2  }
0x119: {  	[hbm4b:s5+s7] =	stream.linear.scatter @!p2 [tilespmem:s3], [sflag:$0xC], $0x80, $0x38;
	[tilespmem:$0x1C938] =	vst v63  }
0x11a: {  	s3 =	sadd.s32 @!p2 $0x80, s30  }
0x11b: {  	s3 =	sand.u32 @!p2 $0x1FFFF8, s3  }
0x11c: {  	s5 =	sadd.s32 @!p2 $0x488, s2;
	s3 =	sadd.s32 @!p2 s1, s3  }
0x11d: {  	[hbm4b:s3+s7] =	stream.linear.scatter @!p2 [tilespmem:s5], [sflag:$0xC], $0x80, $0x38;
	[tilespmem:$0x1C938] =	vst v63  }
0x11e: {  	s3 =	sadd.s32 @!p2 $0x100, s30  }
0x11f: {  	s3 =	sand.u32 @!p2 $0x1FFFF8, s3  }
0x120: {  	s5 =	sadd.s32 @!p2 $0x508, s2;
	s3 =	sadd.s32 @!p2 s1, s3  }
0x121: {  	[hbm4b:s3+s7] =	stream.linear.scatter @!p2 [tilespmem:s5], [sflag:$0xC], $0x80, $0x38;
	[tilespmem:$0x1C938] =	vst v63  }
0x122: {  	s3 =	sadd.s32 @!p2 $0x180, s30;
	s5 =	simm.s32 $0x0  }
0x123: {  	s3 =	sand.u32 @!p2 $0x1FFFF8, s3;
	s5 =	simm.s32 @!p2 $0x800  }
0x124: {  	s2 =	sadd.s32 @!p2 $0x588, s2;
	s3 =	sadd.s32 @!p2 s1, s3;
	s0 =	sadd.s32 s5, s0  }
0x125: {  	[hbm4b:s3+s7] =	stream.linear.scatter @!p2 [tilespmem:s2], [sflag:$0xC], $0x80, $0x38;
	[tilespmem:$0x1C938] =	vst v63  }
.LBB2_26:
0x126: {  	s2 =	sadd.s32 $0x1, s24  }
0x127: {  	s3 =	smulhi.u32 $0xAAAAAAAB, s2;
	_ =	sdelay $0x1  }
0x128: {  	s3 =	sshrl.u32 s3, $0x5  }
0x129: {  	s3 =	smul.u32 $0x30, s3;
	_ =	sdelay $0x1  }
0x12a: {  	s24 =	ssub.s32 s2, s3  }
0x12b: {  	s2 =	sshll.u32 s24, $0x9  }
0x12c: {  	v2 =	vld [tilespmem:s28+$0x0];
	s5 =	smov.u32 s28;
	s3 =	simm.s32 $0x0;
	s2 =	sadd.s32 $0x408, s2  }
.LBB2_27:
0x12d: {  	s3 =	sadd.s32 $0x10, s3  }
0x12e: {  	p2 =	slt.u32 s3, $0x1F0  }
.Ltmp24:
0x12f: {  	_ = 	snop;
	(pc) =	sbr.rel @p2 .LBB2_27-.Ltmp24, $3  }
0x130: {  	_ =	sdelay $0x1  }
0x131: {  	[tilespmem:s2+$0x0] =	vst v2;
	s2 =	sadd.s32 $0x10, s2;
	s5 =	sadd.s32 $0x10, s5  }
0x132: {  	v2 =	vld [tilespmem:s5+$0x0]  }
.Ltmp25:
0x133: {  	_ = 	snop;
	(pc) =	sbr.rel .LBB2_28-.Ltmp25, $1  }
0x134: {  	_ =	sdelay $0x3  }
.LBB2_31:
.Ltmp26:
0x135: {  	(pc) =	sbr.rel .LBB2_32-.Ltmp26, $4  }
0x136: {  	_ = 	snop  }
0x137: {  	s0 =	simm.s32 $0x2  }
0x138: {  	_ =	swait.ge [sflag:s0], $0x0  }
0x139: {  	s31 =	smov.u32 s30;
	[sflag:s0] =	ssyncset.done $0x0;
	s0 =	simm.s32 $0x0  }
.LBB2_34:
0x13a: {  	_ =	sfence.sel $0x180000  }
0x13b: {  	s0 =	simm.s32 $0x9;
	[bflag:$0x0] =	sbarrier.arrive $0xFFFF  }
0x13c: {  	s24 =	simm.s32 $0xA;
	[sflag:s0] =	ssyncpa.u1 $0x1  }
0x13d: {  	s25 =	simm.s32 $0xB;
	[sflag:s24] =	ssyncpa.u1 $0x1  }
0x13e: {  	s26 =	simm.s32 $0x2;
	[sflag:s25] =	ssyncpa.u1 $0x1  }
0x13f: {  	[sflag:s26] =	ssyncpa.u1 $0x1  }
0x140: {  	v0 =	vld [tilespmem:$0xC808];
	_ =	sdelay $0x4  }
0x141: {  	(v2sf) =	vpush v0, $0x0  }
0x142: {  	(v2sf) =	vpush v0, $0x1;
	_ =	sdelay $0x1  }
0x143: {  	(v2sf) =	vpush v0, $0x2;
	_ =	sdelay $0xb  }
0x144: {  	s0 =	spop (v2sf)  }
0x145: {  	s2 =	spop (v2sf)  }
0x146: {  	s3 =	smov.u32 s0;
	p0 =	sne.s32 s0, s2  }
0x147: {  	s4 =	spop (v2sf);
	s3 =	simm.s32 @!p0 $0xFFFFFFFF  }
0x148: {  	v2 =	vimm.s32 $0x1;
	v3 =	vlaneseq.u32;
	p0 =	seq.s32 s4, $0xFFFFFFFF;
	v1 =	vmov s3  }
0x149: {  	s17 =	stileid.u32;
	v0 =	vperm.xlane v0, v2;
	p1 =	sne.s32 @!p0 s0, s2;
	v1 =	vperm.xlane v1, v3  }
0x14a: {  	vm0 =	vcmask $0x3F04;
	s6 =	simm.s32 $0xC808;
	s0 =	simm.s32 @!p0 $0x1;
	p1 =	por !p1, p0  }
0x14b: {  	s3 =	sshll.u32 s17, $0x1;
	s2 =	sshll.u32 @!p0 s4, $0xB;
	s0 =	simm.s32 @p1 $0x0;
	v0 =	vsel vm0, v1, v0  }
0x14c: {  	s5 =	sor.u32 $0x4000, s3;
	s2 =	sshra.s32 @!p0 s2, $0x2;
	s0 =	sor.u32 @!p0 s0, s3;
	[tilespmem:$0xC808] =	vst v0  }
0x14d: {  	[spmem:s5] =	stream.linear.scatter [tilespmem:s6], [sflag:$0x1], $0x2, $0x38;
	[tilespmem:$0x1C938] =	vst v63  }
0x14e: {  	s2 =	sadd.s32 @!p0 $0x408, s2;
	s0 =	sshll.u32 @!p0 s0, $0x9  }
0x14f: {  	[spmem:s0] =	stream.linear.scatter @!p0 [tilespmem:s2], [sflag:$0x1], $0x200, $0x38;
	[tilespmem:$0x1C938] =	vst v63  }
0x150: {  	s0 =	simm.s32 @!p0 $0x202  }
0x151: {  	s28 =	simm.s32 $0x1;
	s0 =	simm.s32 @p0 $0x2  }
0x152: {  	_ =	swait.ge [sflag:s28], s0  }
0x153: {  	s0 =	ssub.s32 $0x0, s0;
	[sflag:s28] =	ssyncset.done $0x0  }
0x154: {  	p0 =	sne.s32 s17, $0x0;
	[sflag:s28] =	ssyncadd.s32 s0  }
.Ltmp27:
0x155: {  	_ =	sfence.stream.spmem;
	(pc) =	sbr.rel @p0 .LBB2_59-.Ltmp27, $4  }
0x156: {  	s29 =	simm.s32 $0x3;
	[bflag:$0x0] =	sbarrier.arrive $0xFFFF  }
0x157: {  	s30 =	simm.s32 $0x4;
	[sflag:s29] =	ssyncpa.u1 $0x1  }
0x158: {  	s31 =	simm.s32 $0x3C;
	[sflag:s30] =	ssyncpa.u1 $0x1  }
0x159: {  	s16 =	rddreg [dreg:$0x6];
	[sflag:s31] =	ssyncpa.u1 $0x1  }
0x15a: {  	_ =	sfence.stream.spmem;
	s0 =	simm.s32 $0x5  }
0x15b: {  	s2 =	simm.s32 $0x4000;
	s3 =	simm.s32 $0xC818;
	[sflag:s0] =	ssyncpa.u1 $0x0  }
0x15c: {  	[tilespmem:s3], [sflag:$0x5] =	stream.linear.gather [spmem:s2], $0x20, $0x38;
	[tilespmem:$0x1C938] =	vst v63  }
0x15d: {  	s26 =	simm.s32 $0x0;
	s28 =	simm.s32 $0xC838  }
0x15e: {  	[tilespmem:s28], [sflag:$0x5] =	stream.linear.gather [spmem:s26], $0x4000, $0x38;
	[tilespmem:$0x1C938] =	vst v63  }
0x15f: {  	_ =	swait.ge [sflag:s0], $0x4020  }
0x160: {  	[sflag:s0] =	ssyncset.done $0x0  }
0x161: {  	s29 =	simm.s32 $0x0;
	[sflag:s0] =	ssyncadd.s32 $0xFFFFBFE0  }
0x162: {  	v0 =	vld.msk [tilespmem:s29+$0xC818], $0x1;
	_ =	sdelay $0x1  }
0x163: {  	s30 =	simm.s32 $0x1  }
0x164: {  	v1 =	vld.msk [tilespmem:s30+$0xC818], $0x1;
	_ =	sdelay $0x1  }
0x165: {  	(v2sf) =	vpush v0, $0x0;
	_ =	sdelay $0x2  }
0x166: {  	(v2sf) =	vpush v1, $0x0;
	_ =	sdelay $0x2  }
0x167: {  	s31 =	simm.s32 $0x2  }
0x168: {  	v0 =	vld.msk [tilespmem:s31+$0xC818], $0x1;
	_ =	sdelay $0x2  }
0x169: {  	s2 =	simm.s32 $0xFFFFFFFF;
	s3 =	simm.s32 $0xFFFFFFFF;
	s0 =	simm.s32 $0xC  }
.LBB2_36:
0x16a: {  	s4 =	smov.u32 s3;
	s5 =	smov.u32 s2  }
0x16b: {  	s2 =	sshra.s32 s0, $0x2;
	p1 =	sne.s32 s0, $0x7C;
	s0 =	sadd.s32 $0x4, s0;
	(v2sf) =	vpush v0, $0x0  }
0x16c: {  	v0 =	vld.msk [tilespmem:s2+$0xC818], $0x1  }
.Ltmp28:
0x16d: {  	(pc) =	sbr.rel @p1 .LBB2_36-.Ltmp28, $4  }
0x16e: {  	s3 =	spop (v2sf)  }
0x16f: {  	p2 =	sne.s32 s5, $0xFFFFFFFF;
	s2 =	smov.u32 s3  }
0x170: {  	p3 =	seq.s32 s3, $0xFFFFFFFF;
	s2 =	smov.u32 @p2 s5  }
0x171: {  	s3 =	smov.u32 @p3 s4;
	s2 =	smov.u32 @p3 s5  }
0x172: {  	(v2sf) =	vpush v0, $0x0;
	_ =	sdelay $0x8  }
0x173: {  	s0 =	spop (v2sf);
	p1 =	sne.s32 s2, $0xFFFFFFFF;
	s9 =	simm.s32 $0x6  }
0x174: {  	s6 =	simm.s32 $0x0;
	s10 =	simm.s32 $0xC838;
	s4 =	smov.u32 s0  }
0x175: {  	s11 =	simm.s32 $0xC688;
	p2 =	seq.s32 s0, $0xFFFFFFFF;
	s4 =	smov.u32 @p1 s2  }
0x176: {  	s12 =	simm.s32 $0xC708;
	s4 =	smov.u32 @p2 s2;
	s2 =	spop (v2sf)  }
0x177: {  	s0 =	smov.u32 @p2 s3;
	p1 =	sne.s32 s4, $0xFFFFFFFF;
	s5 =	smov.u32 s2  }
.Ltmp29:
0x178: {  	p2 =	seq.s32 s2, $0xFFFFFFFF;
	s5 =	smov.u32 @p1 s4;
	(pc) =	sbr.rel .LBB2_38-.Ltmp29, $4  }
0x179: {  	s13 =	simm.s32 $0xC788;
	s5 =	smov.u32 @p2 s4;
	s7 =	spop (v2sf)  }
0x17a: {  	s14 =	simm.s32 $0x0;
	p1 =	sne.s32 s5, $0xFFFFFFFF;
	s8 =	smov.u32 s7  }
0x17b: {  	s2 =	smov.u32 @p2 s0;
	p2 =	seq.s32 s7, $0xFFFFFFFF;
	s8 =	smov.u32 @p1 s5  }
0x17c: {  	[sflag:s9] =	ssyncpa.u1 $0x0;
	s7 =	smov.u32 @p2 s2;
	s8 =	smov.u32 @p2 s5  }
.LBB2_53:
0x17d: {  	s14 =	sadd.s32 $0x1, s14  }
0x17e: {  	p1 =	sne.s32 s14, $0x20  }
.Ltmp30:
0x17f: {  	_ = 	snop;
	(pc) =	sbr.rel @!p1 .LBB2_54-.Ltmp30, $2  }
0x180: {  	_ =	sdelay $0x2  }
0x181: {  	s10 =	sadd.s32 $0x200, s10  }
.LBB2_38:
0x182: {  	v0 =	vld.msk [tilespmem:s14+$0xC818], $0x1;
	_ =	sdelay $0x4  }
0x183: {  	(v2sf) =	vpush v0, $0x0;
	_ =	sdelay $0xe  }
0x184: {  	s0 =	spop (v2sf)  }
0x185: {  	p1 =	seq.s32 s0, $0xFFFFFFFF  }
.Ltmp31:
0x186: {  	_ = 	snop;
	(pc) =	sbr.rel @p1 .LBB2_53-.Ltmp31, $1  }
0x187: {  	_ =	sdelay $0x3  }
0x188: {  	p1 =	slt.s32 s6, $0x1  }
.Ltmp32:
0x189: {  	_ = 	snop;
	(pc) =	sbr.rel @p1 .LBB2_46-.Ltmp32, $1  }
0x18a: {  	_ =	sdelay $0x3  }
0x18b: {  	s2 =	simm.s32 $0xC818;
	p1 =	por $0x0, $0x0  }
0x18c: {  	v1 =	vld.msk @!p1 [tilespmem:s2+$0x0], $0x1;
	_ =	sdelay $0x4  }
0x18d: {  	(v2sf) =	vpush @!p1 v1, $0x0;
	_ =	sdelay $0xd  }
0x18e: {  	p3 =	sne.s32 s6, $0x1  }
.Ltmp33:
0x18f: {  	s3 =	spop @!p1 (v2sf);
	(pc) =	sbr.rel @!p3 .LBB2_42-.Ltmp33, $4  }
0x190: {  	p2 =	seq.s32 @!p1 s0, s3  }
0x191: {  	s4 =	simm.s32 $0x0;
	p2 =	por !p2, p1  }
0x192: {  	s3 =	simm.s32 $0xFFFFFFFF;
	s4 =	simm.s32 @p2 $0xFFFFFFFF  }
0x193: {  	s5 =	simm.s32 $0x1;
	s4 =	smov.u32 @p1 s3  }
.LBB2_41:
0x194: {  	s3 =	smov.u32 s4;
	p1 =	sne.s32 s4, $0xFFFFFFFF  }
0x195: {  	s2 =	sadd.s32 $0x1, s2;
	s4 =	smov.u32 s5;
	s5 =	sadd.s32 $0x1, s5  }
0x196: {  	p2 =	sne.s32 s6, s5;
	v1 =	vld.msk @!p1 [tilespmem:s2+$0x0], $0x1;
	_ =	sdelay $0x4  }
0x197: {  	(v2sf) =	vpush @!p1 v1, $0x0;
	_ =	sdelay $0xe  }
.Ltmp34:
0x198: {  	s15 =	spop @!p1 (v2sf);
	(pc) =	sbr.rel @p2 .LBB2_41-.Ltmp34, $4  }
0x199: {  	p3 =	seq.s32 @!p1 s0, s15  }
0x19a: {  	p3 =	por !p3, p1  }
0x19b: {  	s4 =	simm.s32 @p3 $0xFFFFFFFF  }
0x19c: {  	s4 =	smov.u32 @p1 s3  }
.LBB2_42:
0x19d: {  	p1 =	seq.s32 s4, $0xFFFFFFFF  }
.Ltmp35:
0x19e: {  	_ = 	snop;
	(pc) =	sbr.rel @p1 .LBB2_46-.Ltmp35, $1  }
0x19f: {  	_ =	sdelay $0x3  }
0x1a0: {  	s0 =	sshll.u32 s4, $0xB  }
0x1a1: {  	s0 =	sshra.s32 s0, $0x2  }
0x1a2: {  	s2 =	simm.s32 $0x0;
	v0 =	vld [tilespmem:s10+$0x0];
	s3 =	smov.u32 s10;
	s0 =	sadd.s32 $0xC838, s0  }
.LBB2_44:
0x1a3: {  	s2 =	sadd.s32 $0x10, s2  }
0x1a4: {  	p1 =	slt.u32 s2, $0x1F0  }
.Ltmp36:
0x1a5: {  	_ = 	snop;
	(pc) =	sbr.rel @p1 .LBB2_44-.Ltmp36, $3  }
0x1a6: {  	_ =	sdelay $0x1  }
0x1a7: {  	s3 =	sadd.s32 $0x10, s3;
	[tilespmem:s0+$0x0] =	vst.add.f32.msk $0xffff, v0;
	s0 =	sadd.s32 $0x10, s0  }
0x1a8: {  	v0 =	vld [tilespmem:s3+$0x0]  }
.Ltmp37:
0x1a9: {  	_ = 	snop;
	(pc) =	sbr.rel .LBB2_53-.Ltmp37, $2  }
0x1aa: {  	_ =	sdelay $0x2  }
0x1ab: {  	[tilespmem:s0+$0x0] =	vst.add.f32.msk $0xffff, v0  }
.LBB2_46:
0x1ac: {  	p1 =	sgt.u32 s0, $0x9C270  }
0x1ad: {  	p2 =	seq.s32 @!p1 s0, s8  }
0x1ae: {  	p1 =	por p1, p2  }
0x1af: {  	p2 =	seq.s32 @!p1 s0, s7  }
0x1b0: {  	p1 =	por p1, p2  }
.Ltmp38:
0x1b1: {  	_ = 	snop;
	(pc) =	sbr.rel @p1 .LBB2_50-.Ltmp38, $1  }
0x1b2: {  	_ =	sdelay $0x3  }
0x1b3: {  	s2 =	sand.u32 $0xFFFF8, s0;
	s4 =	sand.u32 $0x7, s0  }
0x1b4: {  	s29 =	sadd.s32 $0x80, s0;
	s3 =	sadd.s32 s1, s2;
	s2 =	simm.s32 $0xC608  }
0x1b5: {  	[tilespmem:s2], [sflag:$0x6] =	stream.linear.gather [hbm4b:s3+s4], $0x80, $0x38;
	[tilespmem:$0x1C938] =	vst v63  }
0x1b6: {  	s3 =	sand.u32 $0x1FFFF8, s29  }
0x1b7: {  	s30 =	sadd.s32 $0x100, s0;
	s3 =	sadd.s32 s1, s3  }
0x1b8: {  	[tilespmem:s11], [sflag:$0x6] =	stream.linear.gather [hbm4b:s3+s4], $0x80, $0x38;
	[tilespmem:$0x1C938] =	vst v63  }
0x1b9: {  	s31 =	sadd.s32 $0x180, s0;
	s3 =	sand.u32 $0x1FFFF8, s30  }
0x1ba: {  	s0 =	sand.u32 $0x1FFFF8, s31;
	s3 =	sadd.s32 s1, s3  }
0x1bb: {  	[tilespmem:s12], [sflag:$0x6] =	stream.linear.gather [hbm4b:s3+s4], $0x80, $0x38;
	[tilespmem:$0x1C938] =	vst v63  }
0x1bc: {  	s0 =	sadd.s32 s1, s0  }
0x1bd: {  	[tilespmem:s13], [sflag:$0x6] =	stream.linear.gather [hbm4b:s0+s4], $0x80, $0x38;
	[tilespmem:$0x1C938] =	vst v63  }
0x1be: {  	_ =	swait.ge [sflag:s9], $0x200  }
0x1bf: {  	[sflag:s9] =	ssyncset.done $0x0  }
0x1c0: {  	[sflag:s9] =	ssyncadd.s32 $0xFFFFFE00  }
0x1c1: {  	s3 =	smov.u32 s10;
	s0 =	simm.s32 $0x0;
	v1 =	vld [tilespmem:s2+$0x0]  }
.LBB2_48:
0x1c2: {  	s0 =	sadd.s32 $0x10, s0  }
0x1c3: {  	p1 =	slt.u32 s0, $0x1F0  }
.Ltmp39:
0x1c4: {  	_ = 	snop;
	(pc) =	sbr.rel @p1 .LBB2_48-.Ltmp39, $3  }
0x1c5: {  	_ =	sdelay $0x1  }
0x1c6: {  	s2 =	sadd.s32 $0x10, s2;
	[tilespmem:s3+$0x0] =	vst.add.f32.msk $0xffff, v1;
	s3 =	sadd.s32 $0x10, s3  }
0x1c7: {  	v1 =	vld [tilespmem:s2+$0x0]  }
0x1c8: {  	_ =	sdelay $0x3  }
0x1c9: {  	[tilespmem:s3+$0x0] =	vst.add.f32.msk $0xffff, v1  }
.LBB2_50:
0x1ca: {  	s0 =	sshll.u32 s6, $0xB  }
0x1cb: {  	[tilespmem:s6+$0xC818] =	vst.msk $0x1, v0;
	s0 =	sshra.s32 s0, $0x2  }
0x1cc: {  	s2 =	simm.s32 $0x0;
	s3 =	smov.u32 s10;
	v0 =	vld [tilespmem:s10+$0x0];
	s0 =	sadd.s32 $0xC838, s0  }
.LBB2_51:
0x1cd: {  	s2 =	sadd.s32 $0x10, s2  }
0x1ce: {  	p1 =	slt.u32 s2, $0x1F0  }
.Ltmp40:
0x1cf: {  	_ = 	snop;
	(pc) =	sbr.rel @p1 .LBB2_51-.Ltmp40, $3  }
0x1d0: {  	_ =	sdelay $0x1  }
0x1d1: {  	s3 =	sadd.s32 $0x10, s3;
	[tilespmem:s0+$0x0] =	vst v0;
	s0 =	sadd.s32 $0x10, s0  }
0x1d2: {  	v0 =	vld [tilespmem:s3+$0x0]  }
.Ltmp41:
0x1d3: {  	_ = 	snop;
	(pc) =	sbr.rel .LBB2_53-.Ltmp41, $2  }
0x1d4: {  	_ =	sdelay $0x2  }
0x1d5: {  	s6 =	sadd.s32 $0x1, s6;
	[tilespmem:s0+$0x0] =	vst v0  }
.LBB2_54:
0x1d6: {  	s0 =	simm.s32 $0x6;
	p1 =	seq.s32 s6, $0x0  }
0x1d7: {  	[sflag:s0] =	ssyncpa.u1 $0x1;
	v0 =	vimm.s32 @p1 $0xFFFFFFFF  }
0x1d8: {  	s0 =	sadd.s32 $0xFFFFFFFF, s6;
	[tilespmem:$0x10838] =	vst @p1 v0  }
0x1d9: {  	v0 =	vld.msk @!p1 [tilespmem:s0+$0xC818], $0x1;
	_ =	sdelay $0x1  }
0x1da: {  	v1 =	vld.msk @!p1 [tilespmem:$0xC818], $0x1;
	_ =	sdelay $0x2  }
0x1db: {  	p2 =	seq.s32 @!p1 s0, $0x0;
	v0 =	vbroadcast @!p1 v0, $0x0  }
0x1dc: {  	vm0 =	vmmov @!p1 $0x1;
	p2 =	por !p2, p1  }
0x1dd: {  	v1 =	vnsel @!p1 vm0, $0xFFFFFFFF, v1;
	vm0 =	vcmask @!p1 $0x308;
	v0 =	vpsel !p2, $0xFFFFFFFF, v0  }
0x1de: {  	p2 =	sne.s32 @!p1 s8, s7;
	v0 =	vsel @!p1 vm0, v1, v0  }
0x1df: {  	s2 =	simm.s32 @!p1 $0xC838;
	s3 =	simm.s32 @!p1 $0x0;
	p3 =	por !p2, p1;
	[tilespmem:$0x10838] =	vst @!p1 v0  }
0x1e0: {  	[spmem:s3] =	stream.linear.scatter @!p1 [tilespmem:s2], [sflag:$0x1], $0x200, $0x38;
	[tilespmem:$0x1C938] =	vst v63  }
0x1e1: {  	s2 =	sshll.u32 @!p3 s0, $0xB  }
0x1e2: {  	s2 =	sshra.s32 @!p3 s2, $0x2  }
0x1e3: {  	s3 =	simm.s32 @!p3 $0x200;
	s2 =	sadd.s32 @!p3 $0xC838, s2  }
0x1e4: {  	[spmem:s3] =	stream.linear.scatter @!p3 [tilespmem:s2], [sflag:$0x1], $0x200, $0x38;
	[tilespmem:$0x1C938] =	vst v63  }
0x1e5: {  	s2 =	simm.s32 @!p3 $0x1  }
0x1e6: {  	_ =	swait.ge @!p3 [sflag:s2], $0x400  }
0x1e7: {  	p1 =	por p2, p1;
	[sflag:s2] =	ssyncset.done @!p3 $0x0  }
0x1e8: {  	[sflag:s2] =	ssyncadd.s32 @!p3 $0xFFFFFC00;
	s2 =	simm.s32 @!p1 $0x1  }
0x1e9: {  	_ =	swait.ge @!p1 [sflag:s2], $0x200  }
0x1ea: {  	s29 =	simm.s32 $0x10838;
	[sflag:s2] =	ssyncset.done @!p1 $0x0  }
0x1eb: {  	s30 =	simm.s32 $0x4000;
	s31 =	simm.s32 $0x1;
	[sflag:s2] =	ssyncadd.s32 @!p1 $0xFFFFFE00  }
0x1ec: {  	[spmem:s30] =	stream.linear.scatter [tilespmem:s29], [sflag:$0x1], $0x10, $0x38;
	[tilespmem:$0x1C938] =	vst v63  }
0x1ed: {  	_ =	swait.ge [sflag:s31], $0x10  }
0x1ee: {  	[sflag:s31] =	ssyncset.done $0x0  }
0x1ef: {  	p1 =	seq.s32 s16, $0x0;
	s9 =	rddreg [dreg:$0x3];
	[sflag:s31] =	ssyncadd.s32 $0xFFFFFFF0  }
0x1f0: {  	s3 =	sshll.u32 @p1 s9, $0xE;
	s8 =	rddreg [dreg:$0x4]  }
0x1f1: {  	s2 =	sadd.s32 @p1 $0x15C3C, s3;
	s3 =	sshll.u32 @p1 s8, $0x11  }
0x1f2: {  	_ =	sfence.stream.spmem;
	s2 =	sor.u32 @p1 s3, s2  }
0x1f3: {  	[sflag:s2] =	ssyncadd.remote.s32 @p1 $0x1;
	s2 =	simm.s32 @p1 $0x4  }
0x1f4: {  	s4 =	simm.s32 @!p1 $0x3C;
	s3 =	sand.u32 $0xFFFFFFFE, s9;
	_ =	swait.ge @p1 [sflag:s2], $0x82  }
0x1f5: {  	s5 =	simm.s32 @!p1 $0x0;
	s3 =	sadd.s32 @!p1 $0x4, s3;
	[sflag:s2] =	ssyncset.done @p1 $0x0  }
0x1f6: {  	s7 =	simm.s32 @!p1 $0x400;
	[sflag:s2] =	ssyncadd.s32 @p1 $0xFFFFFF7E;
	s2 =	sshll.u32 @!p1 s3, $0x1A  }
0x1f7: {  	s3 =	sshll.u32 @!p1 s3, $0xD;
	s2 =	sor.u32 @!p1 s2, s8;
	_ =	swait.eq @!p1 [sflag:s4], $0x1  }
0x1f8: {  	s3 =	sor.u32 @!p1 $0x1C04, s3;
	s4 =	simm.s32 @!p1 $0x1C03;
	s2 =	sor.u32 @!p1 $0x80004000, s2  }
0x1f9: {  	[spmem:s7], [sflag:s3] =	dma.general @!p1 [spmem:s5], [sflag:s4], length:$0x80, [dreg:$0x0], stride_count:$0x0, ici_dest:s2, dma_misc:DstOpCode:WRITE  }
0x1fa: {  	p2 =	slt.s32 s0, $0x2;
	s5 =	simm.s32 @!p1 $0x800;
	s7 =	simm.s32 @!p1 $0x802  }
0x1fb: {  	[spmem:s7], [sflag:s3] =	dma.general @!p1 [spmem:s5], [sflag:s4], length:$0x2, [dreg:$0x0], stride_count:$0x0, ici_dest:s2, dma_misc:DstOpCode:WRITE  }
.Ltmp42:
0x1fc: {  	s2 =	simm.s32 @!p1 $0x3;
	(pc) =	sbr.rel @p2 .LBB2_58-.Ltmp42, $4  }
0x1fd: {  	s3 =	sshll.u32 @!p1 s9, $0xE;
	_ =	swait.ge @!p1 [sflag:s2], $0x82  }
0x1fe: {  	s4 =	sshll.u32 @!p1 s8, $0x11;
	s3 =	sadd.s32 @!p1 $0x11C3C, s3;
	[sflag:s2] =	ssyncset.done @!p1 $0x0  }
0x1ff: {  	[sflag:s2] =	ssyncadd.s32 @!p1 $0xFFFFFF7E;
	s2 =	sor.u32 @!p1 s4, s3  }
0x200: {  	s0 =	simm.s32 $0x0;
	[sflag:s2] =	ssyncadd.remote.s32 @!p1 $0xFFFFFFFF  }
0x201: {  	s0 =	simm.s32 $0xC819  }
0x202: {  	v0 =	vld.msk [tilespmem:s0+$0x0], $0x1;
	_ =	sdelay $0x4  }
0x203: {  	(v2sf) =	vpush v0, $0x0;
	_ =	sdelay $0xe  }
0x204: {  	s2 =	sadd.s32 $0xFFFFFFFE, s6;
	s3 =	spop (v2sf)  }
0x205: {  	s5 =	simm.s32 $0xCA38;
	s4 =	sadd.s32 $0xFFFFFFFF, s2;
	p1 =	sgt.u32 s3, $0x9C270  }
0x206: {  	s0 =	simm.s32 $0x0;
	p2 =	sne.s32 s4, $0x0;
	s2 =	sand.u32 @!p1 $0xFFFF8, s3  }
0x207: {  	s6 =	sadd.s32 @!p1 $0x80, s3;
	s7 =	sadd.s32 @!p1 $0x100, s3;
	s8 =	sadd.s32 @!p1 s1, s2  }
0x208: {  	s2 =	sand.u32 @!p1 $0x7, s3;
	s6 =	sand.u32 @!p1 $0x1FFFF8, s6;
	s7 =	sand.u32 @!p1 $0x1FFFF8, s7  }
0x209: {  	[hbm4b:s8+s2] =	stream.linear.scatter @!p1 [tilespmem:s5], [sflag:$0x5], $0x80, $0x38;
	[tilespmem:$0x1C938] =	vst v63  }
0x20a: {  	s5 =	simm.s32 @!p1 $0xCAB8;
	s6 =	sadd.s32 @!p1 s1, s6;
	s7 =	sadd.s32 @!p1 s1, s7  }
.Ltmp43:
0x20b: {  	s8 =	sadd.s32 @!p1 $0x180, s3;
	s3 =	simm.s32 $0x0;
	(pc) =	sbr.rel @!p2 .LBB2_57-.Ltmp43, $4  }
0x20c: {  	[hbm4b:s6+s2] =	stream.linear.scatter @!p1 [tilespmem:s5], [sflag:$0x5], $0x80, $0x38;
	[tilespmem:$0x1C938] =	vst v63  }
0x20d: {  	s3 =	simm.s32 @!p1 $0x800;
	s8 =	sand.u32 @!p1 $0x1FFFF8, s8;
	s6 =	simm.s32 @!p1 $0xCB38  }
0x20e: {  	[hbm4b:s7+s2] =	stream.linear.scatter @!p1 [tilespmem:s6], [sflag:$0x5], $0x80, $0x38;
	[tilespmem:$0x1C938] =	vst v63  }
0x20f: {  	s5 =	simm.s32 $0xC81A;
	s6 =	simm.s32 $0xCC38;
	s7 =	simm.s32 @!p1 $0xCBB8  }
.LBB2_56:
0x210: {  	s4 =	sadd.s32 $0xFFFFFFFF, s4;
	s8 =	sadd.s32 @!p1 s1, s8;
	s0 =	sadd.s32 s0, s3  }
0x211: {  	[hbm4b:s8+s2] =	stream.linear.scatter @!p1 [tilespmem:s7], [sflag:$0x5], $0x80, $0x38;
	[tilespmem:$0x1C938] =	vst v63  }
0x212: {  	p2 =	sne.s32 s4, $0x0;
	s7 =	smov.u32 s6;
	v0 =	vld.msk [tilespmem:s5+$0x0], $0x1;
	_ =	sdelay $0x4  }
0x213: {  	(v2sf) =	vpush v0, $0x0;
	_ =	sdelay $0xe  }
0x214: {  	s3 =	spop (v2sf)  }
0x215: {  	s6 =	sadd.s32 $0x200, s6;
	s5 =	sadd.s32 $0x1, s5;
	p1 =	sgt.u32 s3, $0x9C270  }
0x216: {  	s2 =	sand.u32 @!p1 $0xFFFF8, s3;
	s8 =	sadd.s32 @!p1 $0x80, s3;
	s9 =	sadd.s32 @!p1 $0x100, s3  }
0x217: {  	s10 =	sadd.s32 @!p1 s1, s2;
	s2 =	sand.u32 @!p1 $0x7, s3;
	s8 =	sand.u32 @!p1 $0x1FFFF8, s8  }
0x218: {  	[hbm4b:s10+s2] =	stream.linear.scatter @!p1 [tilespmem:s7], [sflag:$0x5], $0x80, $0x38;
	[tilespmem:$0x1C938] =	vst v63  }
0x219: {  	s9 =	sand.u32 @!p1 $0x1FFFF8, s9;
	s10 =	sadd.s32 @!p1 $0x80, s7  }
.Ltmp44:
0x21a: {  	s8 =	sadd.s32 @!p1 s1, s8;
	s9 =	sadd.s32 @!p1 s1, s9;
	(pc) =	sbr.rel @p2 .LBB2_56-.Ltmp44, $4  }
0x21b: {  	[hbm4b:s8+s2] =	stream.linear.scatter @!p1 [tilespmem:s10], [sflag:$0x5], $0x80, $0x38;
	[tilespmem:$0x1C938] =	vst v63  }
0x21c: {  	s8 =	sadd.s32 @!p1 $0x100, s7;
	s10 =	sadd.s32 @!p1 $0x180, s3;
	s3 =	simm.s32 $0x0  }
0x21d: {  	[hbm4b:s9+s2] =	stream.linear.scatter @!p1 [tilespmem:s8], [sflag:$0x5], $0x80, $0x38;
	[tilespmem:$0x1C938] =	vst v63  }
0x21e: {  	s7 =	sadd.s32 @!p1 $0x180, s7;
	s3 =	simm.s32 @!p1 $0x800;
	s8 =	sand.u32 @!p1 $0x1FFFF8, s10  }
.LBB2_57:
0x21f: {  	s4 =	sadd.s32 @!p1 s1, s8;
	s0 =	sadd.s32 s0, s3  }
0x220: {  	[hbm4b:s4+s2] =	stream.linear.scatter @!p1 [tilespmem:s7], [sflag:$0x5], $0x80, $0x38;
	[tilespmem:$0x1C938] =	vst v63  }
0x221: {  	s0 =	sshrl.u32 s0, $0x2  }
.LBB2_58:
0x222: {  	s2 =	simm.s32 $0x5  }
0x223: {  	_ =	swait.ge [sflag:s2], s0  }
0x224: {  	s31 =	ssub.s32 $0x0, s0;
	[sflag:s2] =	ssyncset.done $0x0  }
0x225: {  	[sflag:s2] =	ssyncadd.s32 s31  }
0x226: {  	[sflag:s2] =	ssyncpa.u1 $0x1  }
.LBB2_59:
0x227: {  	s0 =	sor.u32 s16, s17  }
0x228: {  	p1 =	sne.s32 s0, $0x0  }
.Ltmp45:
0x229: {  	_ = 	snop;
	(pc) =	sbr.rel @p1 .LBB2_82-.Ltmp45, $3  }
0x22a: {  	_ =	sdelay $0x1  }
0x22b: {  	[bflag:$0x0] =	sbarrier.arrive $0xFFFF  }
0x22c: {  	_ =	sfence  }
0x22d: {  	s0 =	simm.s32 $0x7  }
0x22e: {  	s2 =	simm.s32 $0x4000;
	s3 =	simm.s32 $0xC818;
	[sflag:s0] =	ssyncpa.u1 $0x0  }
0x22f: {  	[tilespmem:s3], [sflag:$0x7] =	stream.linear.gather [spmem:s2], $0x20, $0x38;
	[tilespmem:$0x1C938] =	vst v63  }
0x230: {  	s2 =	simm.s32 $0x0;
	s3 =	simm.s32 $0xC838  }
0x231: {  	[tilespmem:s3], [sflag:$0x7] =	stream.linear.gather [spmem:s2], $0x4000, $0x38;
	[tilespmem:$0x1C938] =	vst v63  }
.Ltmp46:
0x232: {  	_ = 	snop;
	(pc) =	sbr.rel .LBB2_61-.Ltmp46, $4  }
0x233: {  	_ =	swait.ge [sflag:s0], $0x4020  }
0x234: {  	s4 =	simm.s32 $0x8;
	[sflag:s0] =	ssyncset.done $0x0  }
0x235: {  	s5 =	simm.s32 $0xC688;
	s6 =	simm.s32 $0xC708;
	[sflag:s0] =	ssyncadd.s32 $0xFFFFBFE0  }
0x236: {  	s7 =	simm.s32 $0xC788;
	s8 =	simm.s32 $0x0;
	[sflag:s4] =	ssyncpa.u1 $0x0  }
.LBB2_76:
0x237: {  	s8 =	sadd.s32 $0x1, s8  }
0x238: {  	p1 =	sne.s32 s8, $0x20  }
.Ltmp47:
0x239: {  	_ = 	snop;
	(pc) =	sbr.rel @!p1 .LBB2_77-.Ltmp47, $2  }
0x23a: {  	_ =	sdelay $0x2  }
0x23b: {  	s3 =	sadd.s32 $0x200, s3  }
.LBB2_61:
0x23c: {  	v0 =	vld.msk [tilespmem:s8+$0xC818], $0x1;
	_ =	sdelay $0x4  }
0x23d: {  	(v2sf) =	vpush v0, $0x0;
	_ =	sdelay $0xe  }
0x23e: {  	s0 =	spop (v2sf)  }
0x23f: {  	p1 =	seq.s32 s0, $0xFFFFFFFF  }
.Ltmp48:
0x240: {  	_ = 	snop;
	(pc) =	sbr.rel @p1 .LBB2_76-.Ltmp48, $1  }
0x241: {  	_ =	sdelay $0x3  }
0x242: {  	p1 =	slt.s32 s2, $0x1  }
.Ltmp49:
0x243: {  	_ = 	snop;
	(pc) =	sbr.rel @p1 .LBB2_69-.Ltmp49, $1  }
0x244: {  	_ =	sdelay $0x3  }
0x245: {  	s9 =	simm.s32 $0xC818;
	p1 =	por $0x0, $0x0  }
0x246: {  	v1 =	vld.msk @!p1 [tilespmem:s9+$0x0], $0x1;
	_ =	sdelay $0x4  }
0x247: {  	(v2sf) =	vpush @!p1 v1, $0x0;
	_ =	sdelay $0xd  }
0x248: {  	p3 =	sne.s32 s2, $0x1  }
.Ltmp50:
0x249: {  	s10 =	spop @!p1 (v2sf);
	(pc) =	sbr.rel @!p3 .LBB2_65-.Ltmp50, $4  }
0x24a: {  	p2 =	seq.s32 @!p1 s0, s10  }
0x24b: {  	s10 =	simm.s32 $0x0;
	p2 =	por !p2, p1  }
0x24c: {  	s12 =	simm.s32 $0xFFFFFFFF;
	s10 =	simm.s32 @p2 $0xFFFFFFFF  }
0x24d: {  	s11 =	simm.s32 $0x1;
	s10 =	smov.u32 @p1 s12  }
.LBB2_64:
0x24e: {  	s12 =	smov.u32 s10;
	p1 =	sne.s32 s10, $0xFFFFFFFF  }
0x24f: {  	s9 =	sadd.s32 $0x1, s9;
	s10 =	smov.u32 s11;
	s11 =	sadd.s32 $0x1, s11  }
0x250: {  	p2 =	sne.s32 s2, s11;
	v1 =	vld.msk @!p1 [tilespmem:s9+$0x0], $0x1;
	_ =	sdelay $0x4  }
0x251: {  	(v2sf) =	vpush @!p1 v1, $0x0;
	_ =	sdelay $0xe  }
.Ltmp51:
0x252: {  	s13 =	spop @!p1 (v2sf);
	(pc) =	sbr.rel @p2 .LBB2_64-.Ltmp51, $4  }
0x253: {  	p3 =	seq.s32 @!p1 s0, s13  }
0x254: {  	p3 =	por !p3, p1  }
0x255: {  	s10 =	simm.s32 @p3 $0xFFFFFFFF  }
0x256: {  	s10 =	smov.u32 @p1 s12  }
.LBB2_65:
0x257: {  	p1 =	seq.s32 s10, $0xFFFFFFFF  }
.Ltmp52:
0x258: {  	_ = 	snop;
	(pc) =	sbr.rel @p1 .LBB2_69-.Ltmp52, $1  }
0x259: {  	_ =	sdelay $0x3  }
0x25a: {  	s0 =	sshll.u32 s10, $0xB  }
0x25b: {  	s0 =	sshra.s32 s0, $0x2  }
0x25c: {  	s9 =	simm.s32 $0x0;
	v0 =	vld [tilespmem:s3+$0x0];
	s10 =	smov.u32 s3;
	s0 =	sadd.s32 $0xC838, s0  }
.LBB2_67:
0x25d: {  	s9 =	sadd.s32 $0x10, s9  }
0x25e: {  	p1 =	slt.u32 s9, $0x1F0  }
.Ltmp53:
0x25f: {  	_ = 	snop;
	(pc) =	sbr.rel @p1 .LBB2_67-.Ltmp53, $3  }
0x260: {  	_ =	sdelay $0x1  }
0x261: {  	s10 =	sadd.s32 $0x10, s10;
	[tilespmem:s0+$0x0] =	vst.add.f32.msk $0xffff, v0;
	s0 =	sadd.s32 $0x10, s0  }
0x262: {  	v0 =	vld [tilespmem:s10+$0x0]  }
.Ltmp54:
0x263: {  	_ = 	snop;
	(pc) =	sbr.rel .LBB2_76-.Ltmp54, $2  }
0x264: {  	_ =	sdelay $0x2  }
0x265: {  	[tilespmem:s0+$0x0] =	vst.add.f32.msk $0xffff, v0  }
.LBB2_69:
0x266: {  	p1 =	sgt.u32 s0, $0x9C270  }
.Ltmp55:
0x267: {  	_ = 	snop;
	(pc) =	sbr.rel @p1 .LBB2_73-.Ltmp55, $1  }
0x268: {  	_ =	sdelay $0x3  }
0x269: {  	s9 =	sand.u32 $0xFFFF8, s0;
	s11 =	sand.u32 $0x7, s0  }
0x26a: {  	s29 =	sadd.s32 $0x80, s0;
	s10 =	sadd.s32 s1, s9;
	s9 =	simm.s32 $0xC608  }
0x26b: {  	[tilespmem:s9], [sflag:$0x8] =	stream.linear.gather [hbm4b:s10+s11], $0x80, $0x38;
	[tilespmem:$0x1C938] =	vst v63  }
0x26c: {  	s10 =	sand.u32 $0x1FFFF8, s29  }
0x26d: {  	s30 =	sadd.s32 $0x100, s0;
	s10 =	sadd.s32 s1, s10  }
0x26e: {  	[tilespmem:s5], [sflag:$0x8] =	stream.linear.gather [hbm4b:s10+s11], $0x80, $0x38;
	[tilespmem:$0x1C938] =	vst v63  }
0x26f: {  	s31 =	sadd.s32 $0x180, s0;
	s10 =	sand.u32 $0x1FFFF8, s30  }
0x270: {  	s0 =	sand.u32 $0x1FFFF8, s31;
	s10 =	sadd.s32 s1, s10  }
0x271: {  	[tilespmem:s6], [sflag:$0x8] =	stream.linear.gather [hbm4b:s10+s11], $0x80, $0x38;
	[tilespmem:$0x1C938] =	vst v63  }
0x272: {  	s0 =	sadd.s32 s1, s0  }
0x273: {  	[tilespmem:s7], [sflag:$0x8] =	stream.linear.gather [hbm4b:s0+s11], $0x80, $0x38;
	[tilespmem:$0x1C938] =	vst v63  }
0x274: {  	_ =	swait.ge [sflag:s4], $0x200  }
0x275: {  	[sflag:s4] =	ssyncset.done $0x0  }
0x276: {  	[sflag:s4] =	ssyncadd.s32 $0xFFFFFE00  }
0x277: {  	s10 =	smov.u32 s3;
	s0 =	simm.s32 $0x0;
	v1 =	vld [tilespmem:s9+$0x0]  }
.LBB2_71:
0x278: {  	s0 =	sadd.s32 $0x10, s0  }
0x279: {  	p1 =	slt.u32 s0, $0x1F0  }
.Ltmp56:
0x27a: {  	_ = 	snop;
	(pc) =	sbr.rel @p1 .LBB2_71-.Ltmp56, $3  }
0x27b: {  	_ =	sdelay $0x1  }
0x27c: {  	s9 =	sadd.s32 $0x10, s9;
	[tilespmem:s10+$0x0] =	vst.add.f32.msk $0xffff, v1;
	s10 =	sadd.s32 $0x10, s10  }
0x27d: {  	v1 =	vld [tilespmem:s9+$0x0]  }
0x27e: {  	_ =	sdelay $0x3  }
0x27f: {  	[tilespmem:s10+$0x0] =	vst.add.f32.msk $0xffff, v1  }
.LBB2_73:
0x280: {  	s0 =	sshll.u32 s2, $0xB  }
0x281: {  	[tilespmem:s2+$0xC818] =	vst.msk $0x1, v0;
	s0 =	sshra.s32 s0, $0x2  }
0x282: {  	s9 =	simm.s32 $0x0;
	s10 =	smov.u32 s3;
	v0 =	vld [tilespmem:s3+$0x0];
	s0 =	sadd.s32 $0xC838, s0  }
.LBB2_74:
0x283: {  	s9 =	sadd.s32 $0x10, s9  }
0x284: {  	p1 =	slt.u32 s9, $0x1F0  }
.Ltmp57:
0x285: {  	_ = 	snop;
	(pc) =	sbr.rel @p1 .LBB2_74-.Ltmp57, $3  }
0x286: {  	_ =	sdelay $0x1  }
0x287: {  	s10 =	sadd.s32 $0x10, s10;
	[tilespmem:s0+$0x0] =	vst v0;
	s0 =	sadd.s32 $0x10, s0  }
0x288: {  	v0 =	vld [tilespmem:s10+$0x0]  }
.Ltmp58:
0x289: {  	_ = 	snop;
	(pc) =	sbr.rel .LBB2_76-.Ltmp58, $2  }
0x28a: {  	_ =	sdelay $0x2  }
0x28b: {  	s2 =	sadd.s32 $0x1, s2;
	[tilespmem:s0+$0x0] =	vst v0  }
.LBB2_77:
0x28c: {  	p1 =	slt.s32 s2, $0x1  }
.Ltmp59:
0x28d: {  	_ = 	snop;
	(pc) =	sbr.rel @p1 .LBB2_81-.Ltmp59, $3  }
0x28e: {  	_ =	sdelay $0x1  }
0x28f: {  	s0 =	simm.s32 $0x8  }
0x290: {  	[sflag:s0] =	ssyncpa.u1 $0x1;
	s0 =	simm.s32 $0x0  }
0x291: {  	s3 =	simm.s32 $0xC818  }
0x292: {  	v0 =	vld.msk [tilespmem:s3+$0x0], $0x1;
	_ =	sdelay $0x4  }
0x293: {  	(v2sf) =	vpush v0, $0x0;
	_ =	sdelay $0xe  }
0x294: {  	s7 =	spop (v2sf)  }
0x295: {  	s2 =	sadd.s32 $0xFFFFFFFF, s2;
	p1 =	sgt.u32 s7, $0x9C270  }
0x296: {  	s3 =	simm.s32 $0xC838;
	s4 =	sand.u32 @!p1 $0xFFFF8, s7;
	s8 =	sadd.s32 @!p1 $0x80, s7  }
0x297: {  	s5 =	sand.u32 @!p1 $0x7, s7;
	s4 =	sadd.s32 @!p1 s1, s4;
	s8 =	sand.u32 @!p1 $0x1FFFF8, s8  }
0x298: {  	[hbm4b:s4+s5] =	stream.linear.scatter @!p1 [tilespmem:s3], [sflag:$0x7], $0x80, $0x38;
	[tilespmem:$0x1C938] =	vst v63  }
0x299: {  	p2 =	sne.s32 s2, $0x0;
	s3 =	simm.s32 @!p1 $0xC8B8;
	s4 =	sadd.s32 @!p1 s1, s8  }
0x29a: {  	[hbm4b:s4+s5] =	stream.linear.scatter @!p1 [tilespmem:s3], [sflag:$0x7], $0x80, $0x38;
	[tilespmem:$0x1C938] =	vst v63  }
.Ltmp60:
0x29b: {  	s6 =	simm.s32 $0x0;
	s9 =	sadd.s32 @!p1 $0x100, s7;
	(pc) =	sbr.rel @!p2 .LBB2_80-.Ltmp60, $4  }
0x29c: {  	s6 =	simm.s32 @!p1 $0x800;
	s8 =	sand.u32 @!p1 $0x1FFFF8, s9;
	s3 =	simm.s32 @!p1 $0xC938  }
0x29d: {  	s4 =	sadd.s32 @!p1 s1, s8;
	s8 =	sadd.s32 @!p1 $0x180, s7;
	s7 =	simm.s32 @!p1 $0xC9B8  }
0x29e: {  	[hbm4b:s4+s5] =	stream.linear.scatter @!p1 [tilespmem:s3], [sflag:$0x7], $0x80, $0x38;
	[tilespmem:$0x1C938] =	vst v63  }
0x29f: {  	s8 =	sand.u32 @!p1 $0x1FFFF8, s8;
	s3 =	simm.s32 $0xC819;
	s4 =	simm.s32 $0xCA38  }
.LBB2_79:
0x2a0: {  	s2 =	sadd.s32 $0xFFFFFFFF, s2;
	s8 =	sadd.s32 @!p1 s1, s8;
	s0 =	sadd.s32 s0, s6  }
0x2a1: {  	[hbm4b:s8+s5] =	stream.linear.scatter @!p1 [tilespmem:s7], [sflag:$0x7], $0x80, $0x38;
	[tilespmem:$0x1C938] =	vst v63  }
0x2a2: {  	p2 =	sne.s32 s2, $0x0;
	s7 =	smov.u32 s4;
	v0 =	vld.msk [tilespmem:s3+$0x0], $0x1;
	_ =	sdelay $0x4  }
0x2a3: {  	(v2sf) =	vpush v0, $0x0;
	_ =	sdelay $0xe  }
0x2a4: {  	s6 =	spop (v2sf)  }
0x2a5: {  	s4 =	sadd.s32 $0x200, s4;
	s3 =	sadd.s32 $0x1, s3;
	p1 =	sgt.u32 s6, $0x9C270  }
0x2a6: {  	s5 =	sand.u32 @!p1 $0xFFFF8, s6;
	s8 =	sadd.s32 @!p1 $0x80, s6;
	s9 =	sadd.s32 @!p1 $0x100, s6  }
0x2a7: {  	s10 =	sadd.s32 @!p1 s1, s5;
	s5 =	sand.u32 @!p1 $0x7, s6;
	s8 =	sand.u32 @!p1 $0x1FFFF8, s8  }
0x2a8: {  	[hbm4b:s10+s5] =	stream.linear.scatter @!p1 [tilespmem:s7], [sflag:$0x7], $0x80, $0x38;
	[tilespmem:$0x1C938] =	vst v63  }
0x2a9: {  	s9 =	sand.u32 @!p1 $0x1FFFF8, s9;
	s10 =	sadd.s32 @!p1 $0x80, s7  }
.Ltmp61:
0x2aa: {  	s8 =	sadd.s32 @!p1 s1, s8;
	s9 =	sadd.s32 @!p1 s1, s9;
	(pc) =	sbr.rel @p2 .LBB2_79-.Ltmp61, $4  }
0x2ab: {  	[hbm4b:s8+s5] =	stream.linear.scatter @!p1 [tilespmem:s10], [sflag:$0x7], $0x80, $0x38;
	[tilespmem:$0x1C938] =	vst v63  }
0x2ac: {  	s8 =	sadd.s32 @!p1 $0x100, s7;
	s10 =	sadd.s32 @!p1 $0x180, s6;
	s6 =	simm.s32 $0x0  }
0x2ad: {  	[hbm4b:s9+s5] =	stream.linear.scatter @!p1 [tilespmem:s8], [sflag:$0x7], $0x80, $0x38;
	[tilespmem:$0x1C938] =	vst v63  }
0x2ae: {  	s7 =	sadd.s32 @!p1 $0x180, s7;
	s6 =	simm.s32 @!p1 $0x800;
	s8 =	sand.u32 @!p1 $0x1FFFF8, s10  }
.LBB2_80:
0x2af: {  	s1 =	sadd.s32 @!p1 s1, s8;
	s0 =	sadd.s32 s0, s6  }
0x2b0: {  	[hbm4b:s1+s5] =	stream.linear.scatter @!p1 [tilespmem:s7], [sflag:$0x7], $0x80, $0x38;
	[tilespmem:$0x1C938] =	vst v63  }
0x2b1: {  	s0 =	sshrl.u32 s0, $0x2  }
.LBB2_81:
0x2b2: {  	s1 =	simm.s32 $0x7  }
0x2b3: {  	_ =	swait.ge [sflag:s1], s0  }
0x2b4: {  	s31 =	ssub.s32 $0x0, s0;
	[sflag:s1] =	ssyncset.done $0x0  }
0x2b5: {  	[sflag:s1] =	ssyncadd.s32 s31  }
0x2b6: {  	[sflag:s1] =	ssyncpa.u1 $0x1  }
.LBB2_82:
0x2b7: {  	_ =	sfence;
	s0 =	simm.s32 $0x1  }
0x2b8: {  	[sflag:s0] =	ssyncpa.u1 $0x1  }
0x2b9: {  	_ =	strace $0x90000047  }
0x2ba: {  	[bflag:$0x2] =	sbarrier.arrive $0xFFFF  }
0x2bb: {  	s0 =	rddreg [dreg:$0x5]  }
0x2bc: {  	s0 =	sadd.s32 @!p0 $0x100000, s0  }
0x2bd: {  	[sflag:s0] =	ssyncadd.tile.s32 @!p0 $0x1;
	_ =	shalt  }
.Lfunc_end2:
_tile_overlayer_lowered:
.L_overlay_start_2:
0x2be: {  	(tag) =	ssettag $0x2  }
0x2bf: {  	s0 =	rddreg [dreg:$0x0];
	s2 =	stileid.u32  }
0x2c0: {  	s1 =	rddreg [dreg:$0x1];
	p0 =	sne.s32 s2, $0x0  }
0x2c1: {  	s3 =	rddreg [dreg:$0x2];
	[bflag:$0x3] =	sbarrier.arrive $0xFFFF;
	s2 =	simm.s32 @!p0 $0x1C01  }
0x2c2: {  	[timem:s3], [sflag:s2] =	dma.local @!p0 [hbm:s0], s1  }
0x2c3: {  	s0 =	simm.s32 @!p0 $0x1  }
0x2c4: {  	_ =	swait.ge @!p0 [sflag:s0], s1  }
0x2c5: {  	s1 =	ssub.s32 @!p0 $0x0, s1;
	[sflag:s0] =	ssyncset.done @!p0 $0x0  }
0x2c6: {  	[sflag:s0] =	ssyncadd.s32 @!p0 s1  }
0x2c7: {  	[bflag:$0x3] =	sbarrier.arrive $0xFFFF  }
0x2c8: {  	_ =	shalt  }

</sc_bundles>
